<compile_context>
chip_gen: v7x
topology: tpu7x:2x2x1
jax: 0.10.2.dev20260603
libtpu: 0.0.44.dev20260713+nightly
codegen_flags: <defaults>
</compile_context>

<pallas_src>
import functools

import jax
import jax.numpy as jnp
from jax import lax
from jax.experimental import pallas as pl
from jax.experimental.pallas import tpu as pltpu
from jax.experimental.pallas import tpu_sc as plsc

N = 10000
D = 128
E = 320000
EPS = 1e-5

NC = 2
NS = 16
NW = NC * NS
CHUNK = 128
CPW = -(-E // (NW * CHUNK))
EPW = CPW * CHUNK
E_PAD = NW * EPW
RPT = 640
N_ACC = NS * RPT

_mesh = plsc.VectorSubcoreMesh(core_axis_name="c", subcore_axis_name="s")


@functools.partial(
    pl.kernel,
    mesh=_mesh,
    out_type=jax.ShapeDtypeStruct((NC * N_ACC,), jnp.float32),
    scratch_types=[
        pltpu.VMEM((CPW, CHUNK), jnp.int32),
        pltpu.VMEM((CHUNK,), jnp.float32),
        pltpu.VMEM_SHARED((N_ACC,), jnp.float32),
    ],
)
def _deg_kernel(dst_hbm, zvec_hbm, out_hbm, dst_v, ones_v, deg_sh):
    cid = lax.axis_index("c")
    sid = lax.axis_index("s")
    wid = cid * NS + sid
    pltpu.sync_copy(zvec_hbm, deg_sh.at[pl.ds(sid * RPT, RPT)])
    pltpu.sync_copy(dst_hbm.at[wid], dst_v)

    one16 = jnp.full((16,), 1.0, jnp.float32)

    def obody(i, carry):
        ones_v[pl.ds(i * 16, 16)] = one16
        return carry

    lax.fori_loop(0, CHUNK // 16, obody, 0)
    plsc.subcore_barrier()

    def ebody(j, carry):
        pltpu.sync_copy(ones_v, deg_sh.at[dst_v.at[j]], add=True)
        return carry

    lax.fori_loop(0, CPW, ebody, 0)
    plsc.subcore_barrier()
    pltpu.sync_copy(deg_sh.at[pl.ds(sid * RPT, RPT)],
                    out_hbm.at[pl.ds(cid * N_ACC + sid * RPT, RPT)])


@functools.partial(
    pl.kernel,
    mesh=_mesh,
    out_type=jax.ShapeDtypeStruct((NC, N_ACC, D), jnp.float32),
    scratch_types=[
        pltpu.VMEM((CPW, CHUNK), jnp.int32),
        pltpu.VMEM((CPW, CHUNK), jnp.int32),
        pltpu.VMEM((CHUNK, D), jnp.float32),
        pltpu.VMEM_SHARED((N_ACC, D), jnp.float32),
        pltpu.SemaphoreType.DMA,
    ],
)
def _agg_kernel(src_hbm, dst_hbm, hs_hbm, zrows_hbm, out_hbm,
                src_v, dst_v, rows_v, acc_sh, sem):
    cid = lax.axis_index("c")
    sid = lax.axis_index("s")
    wid = cid * NS + sid
    pltpu.sync_copy(zrows_hbm, acc_sh.at[pl.ds(sid * RPT, RPT)])
    pltpu.sync_copy(src_hbm.at[wid], src_v)
    pltpu.sync_copy(dst_hbm.at[wid], dst_v)
    plsc.subcore_barrier()

    def ebody(j, carry):
        pltpu.async_copy(hs_hbm.at[src_v.at[j]], rows_v, sem).wait()
        pltpu.sync_copy(rows_v, acc_sh.at[dst_v.at[j]], add=True)
        return carry

    lax.fori_loop(0, CPW, ebody, 0)
    plsc.subcore_barrier()
    pltpu.sync_copy(acc_sh.at[pl.ds(sid * RPT, RPT)],
                    out_hbm.at[cid, pl.ds(sid * RPT, RPT)])


def _tc1_body(degT_ref, x_ref, W1_ref, b1_ref, dinv_ref, hs_ref):
    deg = jnp.sum(degT_ref[...], axis=1, keepdims=True) + 1.0
    dinv = lax.rsqrt(deg[:N])
    h = jnp.dot(x_ref[...], W1_ref[...],
                preferred_element_type=jnp.float32) + b1_ref[...]
    dinv_ref[...] = dinv
    hs_ref[...] = h * dinv


_tc1_call = pl.pallas_call(
    _tc1_body,
    out_shape=[
        jax.ShapeDtypeStruct((N, 1), jnp.float32),
        jax.ShapeDtypeStruct((N, D), jnp.float32),
    ],
)


def _tc2_body(agg_ref, hs1_ref, dinv_ref, g_ref, be_ref, W2_ref, b2_ref,
              out_ref):
    t = (agg_ref[0, :N, :] + agg_ref[1, :N, :] + hs1_ref[...]) * dinv_ref[...]
    mean = jnp.mean(t, axis=0, keepdims=True)
    var = jnp.mean(t * t, axis=0, keepdims=True) - mean * mean
    y = g_ref[...] * (t - mean) * lax.rsqrt(var + EPS) + be_ref[...]
    y = jnp.maximum(y, 0.0)
    h2 = jnp.dot(y, W2_ref[...],
                 preferred_element_type=jnp.float32) + b2_ref[...]
    out_ref[...] = h2 * dinv_ref[...]


_tc2_call = pl.pallas_call(
    _tc2_body,
    out_shape=jax.ShapeDtypeStruct((N, D), jnp.float32),
)


def _tc3_body(agg_ref, hs2_ref, dinv_ref, g_ref, be_ref, out_ref):
    t = (agg_ref[0, :N, :] + agg_ref[1, :N, :] + hs2_ref[...]) * dinv_ref[...]
    mean = jnp.mean(t, axis=0, keepdims=True)
    var = jnp.mean(t * t, axis=0, keepdims=True) - mean * mean
    out_ref[...] = g_ref[...] * (t - mean) * lax.rsqrt(var + EPS) + be_ref[...]


_tc3_call = pl.pallas_call(
    _tc3_body,
    out_shape=jax.ShapeDtypeStruct((N, D), jnp.float32),
)


def kernel(x, edge_index, W1, b1, g1, be1, W2, b2, g2, be2):
    src = edge_index[0]
    dst = edge_index[1]
    pad = E_PAD - E
    src_p = jnp.concatenate([src, jnp.zeros((pad,), jnp.int32)])
    dst_p = jnp.concatenate([dst, jnp.full((pad,), N, jnp.int32)])
    src3 = src_p.reshape(NW, CPW, CHUNK)
    dst3 = dst_p.reshape(NW, CPW, CHUNK)
    zrows = jnp.zeros((RPT, D), jnp.float32)
    zvec = jnp.zeros((RPT,), jnp.float32)

    deg_parts = _deg_kernel(dst3, zvec)
    degT = deg_parts.reshape(NC, N_ACC).T
    dinv, hs1 = _tc1_call(degT, x, W1, b1)
    agg1 = _agg_kernel(src3, dst3, hs1, zrows)
    hs2 = _tc2_call(agg1, hs1, dinv, g1, be1, W2, b2)
    agg2 = _agg_kernel(src3, dst3, hs2, zrows)
    return _tc3_call(agg2, hs2, dinv, g2, be2)

# --- scband reference (transcript-rebuilt; emitter-appended) ---
"""Pipeline reference for scband-graph-conv-network-31963146617555 (READ-ONLY COPY).

The authoritative reference and input builder live on the scoring server;
editing this copy changes nothing except your own understanding.
"""

import jax, jax.numpy as jnp
import numpy as np

N, E, D_IN, D_HID, D_OUT = 10000, 320000, 128, 128, 128
EPS = 1e-5


def gcn_conv(x, src, dst, W, b):
    n = x.shape[0]
    loop = jnp.arange(n, dtype=src.dtype)
    s = jnp.concatenate([src, loop])
    d = jnp.concatenate([dst, loop])
    deg = jnp.zeros((n,), x.dtype).at[d].add(1.0)
    dinv = jnp.where(deg > 0, 1.0 / jnp.sqrt(deg), 0.0)
    norm = dinv[s] * dinv[d]
    h = x @ W + b
    msg = h[s] * norm[:, None]
    out = jnp.zeros((n, h.shape[1]), h.dtype).at[d].add(msg)
    return out


def batch_norm(x, gamma, beta):
    mean = jnp.mean(x, axis=0)
    var = jnp.var(x, axis=0)
    return gamma * (x - mean) / jnp.sqrt(var + EPS) + beta


def setup_inputs(seed: int = 0):
    key = jax.random.key(seed)
    ks = jax.random.split(key, 10)
    x = jax.random.normal(ks[0], (N, D_IN), jnp.float32)
    edge_index = jax.random.randint(ks[1], (2, E), 0, N, dtype=jnp.int32)
    s1 = 1.0 / np.sqrt(D_IN)
    s2 = 1.0 / np.sqrt(D_HID)
    W1 = jax.random.uniform(ks[2], (D_IN, D_HID), jnp.float32, -s1, s1)
    b1 = jax.random.uniform(ks[3], (D_HID,), jnp.float32, -s1, s1)
    g1 = jnp.ones((D_HID,), jnp.float32)
    be1 = jnp.zeros((D_HID,), jnp.float32)
    W2 = jax.random.uniform(ks[4], (D_HID, D_OUT), jnp.float32, -s2, s2)
    b2 = jax.random.uniform(ks[5], (D_OUT,), jnp.float32, -s2, s2)
    g2 = jnp.ones((D_OUT,), jnp.float32)
    be2 = jnp.zeros((D_OUT,), jnp.float32)
    return {"x": x, "edge_index": edge_index, "W1": W1, "b1": b1, "g1": g1, "be1": be1, "W2": W2, "b2": b2, "g2": g2, "be2": be2}


def reference(x, edge_index, W1, b1, g1, be1, W2, b2, g2, be2):
    src = edge_index[0]
    dst = edge_index[1]
    h = gcn_conv(x, src, dst, W1, b1)
    h = batch_norm(h, g1, be1)
    h = jax.nn.relu(h)
    # dropout: identity (eval mode / deterministic reference)
    h = gcn_conv(h, src, dst, W2, b2)
    h = batch_norm(h, g2, be2)
    return h

if __name__ == "__main__":
    import jax
    _d = setup_inputs()
    print(jax.jit(kernel)(*tuple(_d.values())))

</pallas_src>

<mosaic_0001>
#map = affine_map<(d0, d1) -> (0, 0, 0)>
#map1 = affine_map<(d0, d1) -> (0, 0)>
module attributes {stable_mosaic.version = 14 : i64} {
  func.func @_agg_kernel(%arg0: i32, %arg1: i32, %arg2: memref<32x79x128xi32, #tpu.memory_space<hbm>>, %arg3: memref<32x79x128xi32, #tpu.memory_space<hbm>>, %arg4: memref<10000x128xf32, #tpu.memory_space<hbm>>, %arg5: memref<640x128xf32, #tpu.memory_space<hbm>>, %arg6: memref<2x10240x128xf32, #tpu.memory_space<hbm>>, %arg7: memref<79x128xi32, #tpu.memory_space<vmem>>, %arg8: memref<79x128xi32, #tpu.memory_space<vmem>>, %arg9: memref<128x128xf32, #tpu.memory_space<vmem>>, %arg10: memref<10240x128xf32, #tpu.memory_space<vmem_shared>>, %arg11: memref<!tpu.dma_semaphore, #tpu.memory_space<semaphore_mem>>) attributes {dimension_semantics = [#tpu.dimension_semantics<core_parallel>, #tpu.dimension_semantics<subcore_parallel>], iteration_bounds = array<i64: 2, 16>, scalar_prefetch = 0 : i64, scratch_operands = 5 : i64, tpu.core_type = #tpu.core_type<sc_vector_subcore>, window_params = [{transform_indices = #map}, {transform_indices = #map}, {transform_indices = #map1}, {transform_indices = #map1}, {transform_indices = #map}]} {
    %mul3A = arith.constant 16 : i32
    %mul3A_0 = arith.muli %arg0, %mul3A : i32
    %add3A = arith.addi %mul3A_0, %arg1 : i32
    %mul3A_1 = arith.constant 640 : i32
    %mul3A_2 = arith.muli %arg1, %mul3A_1 : i32
    "tpu.region"() ({
      %run_scoped3A = tpu.sem_alloc : memref<!tpu.dma_semaphore, #tpu.memory_space<semaphore_mem>>
      %dma_start3A = arith.constant 0 : i32
      %dma_start3A_13 = tpu.memref_slice %arg10[%mul3A_2, %dma_start3A] : memref<10240x128xf32, #tpu.memory_space<vmem_shared>> -> memref<640x128xf32, #tpu.memory_space<vmem_shared>>
      tpu.enqueue_dma source(%arg5 : memref<640x128xf32, #tpu.memory_space<hbm>>) target(%dma_start3A_13 : memref<640x128xf32, #tpu.memory_space<vmem_shared>>) target_semaphore(%run_scoped3A : memref<!tpu.dma_semaphore, #tpu.memory_space<semaphore_mem>>)
      %dma_wait3A = arith.constant 0 : i32
      %dma_wait3A_14 = tpu.memref_slice %arg10[%mul3A_2, %dma_wait3A] : memref<10240x128xf32, #tpu.memory_space<vmem_shared>> -> memref<640x128xf32, #tpu.memory_space<vmem_shared>>
      tpu.wait_dma2 semaphore(%run_scoped3A : memref<!tpu.dma_semaphore, #tpu.memory_space<semaphore_mem>>) src(%arg5 : memref<640x128xf32, #tpu.memory_space<hbm>>) dst(%dma_wait3A_14 : memref<640x128xf32, #tpu.memory_space<vmem_shared>>)
      tpu.yield
    }) : () -> ()
    "tpu.region"() ({
      %run_scoped3A = tpu.sem_alloc : memref<!tpu.dma_semaphore, #tpu.memory_space<semaphore_mem>>
      %dma_start3A = arith.constant 0 : i32
      %dma_start3A_13 = arith.constant 0 : i32
      %dma_start3A_14 = tpu.memref_slice %arg2[%add3A, %dma_start3A, %dma_start3A_13] : memref<32x79x128xi32, #tpu.memory_space<hbm>> -> memref<1x79x128xi32, #tpu.memory_space<hbm>>
      %dma_start3A_15 = tpu.memref_squeeze %dma_start3A_14 : memref<1x79x128xi32, #tpu.memory_space<hbm>> -> memref<79x128xi32, #tpu.memory_space<hbm>>
      %dma_start3A_16 = arith.constant 0 : i32
      %dma_start3A_17 = arith.constant 0 : i32
      %dma_start3A_18 = tpu.memref_slice %arg2[%add3A, %dma_start3A_16, %dma_start3A_17] : memref<32x79x128xi32, #tpu.memory_space<hbm>> -> memref<1x79x128xi32, #tpu.memory_space<hbm>>
      %dma_start3A_19 = tpu.memref_squeeze %dma_start3A_18 : memref<1x79x128xi32, #tpu.memory_space<hbm>> -> memref<79x128xi32, #tpu.memory_space<hbm>>
      tpu.enqueue_dma source(%dma_start3A_19 : memref<79x128xi32, #tpu.memory_space<hbm>>) target(%arg7 : memref<79x128xi32, #tpu.memory_space<vmem>>) target_semaphore(%run_scoped3A : memref<!tpu.dma_semaphore, #tpu.memory_space<semaphore_mem>>)
      %dma_wait3A = arith.constant 0 : i32
      %dma_wait3A_20 = arith.constant 0 : i32
      %dma_wait3A_21 = tpu.memref_slice %arg2[%add3A, %dma_wait3A, %dma_wait3A_20] : memref<32x79x128xi32, #tpu.memory_space<hbm>> -> memref<1x79x128xi32, #tpu.memory_space<hbm>>
      %dma_wait3A_22 = tpu.memref_squeeze %dma_wait3A_21 : memref<1x79x128xi32, #tpu.memory_space<hbm>> -> memref<79x128xi32, #tpu.memory_space<hbm>>
      %dma_wait3A_23 = arith.constant 0 : i32
      %dma_wait3A_24 = arith.constant 0 : i32
      %dma_wait3A_25 = tpu.memref_slice %arg2[%add3A, %dma_wait3A_23, %dma_wait3A_24] : memref<32x79x128xi32, #tpu.memory_space<hbm>> -> memref<1x79x128xi32, #tpu.memory_space<hbm>>
      %dma_wait3A_26 = tpu.memref_squeeze %dma_wait3A_25 : memref<1x79x128xi32, #tpu.memory_space<hbm>> -> memref<79x128xi32, #tpu.memory_space<hbm>>
      tpu.wait_dma2 semaphore(%run_scoped3A : memref<!tpu.dma_semaphore, #tpu.memory_space<semaphore_mem>>) src(%dma_wait3A_26 : memref<79x128xi32, #tpu.memory_space<hbm>>) dst(%arg7 : memref<79x128xi32, #tpu.memory_space<vmem>>)
      tpu.yield
    }) : () -> ()
    "tpu.region"() ({
      %run_scoped3A = tpu.sem_alloc : memref<!tpu.dma_semaphore, #tpu.memory_space<semaphore_mem>>
      %dma_start3A = arith.constant 0 : i32
      %dma_start3A_13 = arith.constant 0 : i32
      %dma_start3A_14 = tpu.memref_slice %arg3[%add3A, %dma_start3A, %dma_start3A_13] : memref<32x79x128xi32, #tpu.memory_space<hbm>> -> memref<1x79x128xi32, #tpu.memory_space<hbm>>
      %dma_start3A_15 = tpu.memref_squeeze %dma_start3A_14 : memref<1x79x128xi32, #tpu.memory_space<hbm>> -> memref<79x128xi32, #tpu.memory_space<hbm>>
      %dma_start3A_16 = arith.constant 0 : i32
      %dma_start3A_17 = arith.constant 0 : i32
      %dma_start3A_18 = tpu.memref_slice %arg3[%add3A, %dma_start3A_16, %dma_start3A_17] : memref<32x79x128xi32, #tpu.memory_space<hbm>> -> memref<1x79x128xi32, #tpu.memory_space<hbm>>
      %dma_start3A_19 = tpu.memref_squeeze %dma_start3A_18 : memref<1x79x128xi32, #tpu.memory_space<hbm>> -> memref<79x128xi32, #tpu.memory_space<hbm>>
      tpu.enqueue_dma source(%dma_start3A_19 : memref<79x128xi32, #tpu.memory_space<hbm>>) target(%arg8 : memref<79x128xi32, #tpu.memory_space<vmem>>) target_semaphore(%run_scoped3A : memref<!tpu.dma_semaphore, #tpu.memory_space<semaphore_mem>>)
      %dma_wait3A = arith.constant 0 : i32
      %dma_wait3A_20 = arith.constant 0 : i32
      %dma_wait3A_21 = tpu.memref_slice %arg3[%add3A, %dma_wait3A, %dma_wait3A_20] : memref<32x79x128xi32, #tpu.memory_space<hbm>> -> memref<1x79x128xi32, #tpu.memory_space<hbm>>
      %dma_wait3A_22 = tpu.memref_squeeze %dma_wait3A_21 : memref<1x79x128xi32, #tpu.memory_space<hbm>> -> memref<79x128xi32, #tpu.memory_space<hbm>>
      %dma_wait3A_23 = arith.constant 0 : i32
      %dma_wait3A_24 = arith.constant 0 : i32
      %dma_wait3A_25 = tpu.memref_slice %arg3[%add3A, %dma_wait3A_23, %dma_wait3A_24] : memref<32x79x128xi32, #tpu.memory_space<hbm>> -> memref<1x79x128xi32, #tpu.memory_space<hbm>>
      %dma_wait3A_26 = tpu.memref_squeeze %dma_wait3A_25 : memref<1x79x128xi32, #tpu.memory_space<hbm>> -> memref<79x128xi32, #tpu.memory_space<hbm>>
      tpu.wait_dma2 semaphore(%run_scoped3A : memref<!tpu.dma_semaphore, #tpu.memory_space<semaphore_mem>>) src(%dma_wait3A_26 : memref<79x128xi32, #tpu.memory_space<hbm>>) dst(%arg8 : memref<79x128xi32, #tpu.memory_space<vmem>>)
      tpu.yield
    }) : () -> ()
    %barrier3A = arith.constant 0 : index
    tpu.barrier barrier_id(%barrier3A)
    %scan3A = arith.constant 0 : i32
    %scan3A_3 = arith.constant 0 : i32
    %scan3A_4 = arith.constant 79 : i32
    %scan3A_5 = arith.addi %scan3A_3, %scan3A_4 : i32
    %scan3A_6 = arith.constant 1 : i32
    scf.for %scan3A_13 = %scan3A_3 to %scan3A_5 step %scan3A_6  : i32 {
      %dma_start3A = arith.constant 0 : i32
      %dma_start3A_14 = tpu.memref_slice %arg7[%scan3A_13, %dma_start3A] : memref<79x128xi32, #tpu.memory_space<vmem>> -> memref<1x128xi32, #tpu.memory_space<vmem>>
      %dma_start3A_15 = tpu.memref_squeeze %dma_start3A_14 : memref<1x128xi32, #tpu.memory_space<vmem>> -> memref<128xi32, #tpu.memory_space<vmem>>
      %dma_start3A_16 = arith.constant 0 : i32
      %dma_start3A_17 = arith.constant 0 : i32
      %dma_start3A_18 = tpu.memref_slice %arg4[%dma_start3A_16, %dma_start3A_17] : memref<10000x128xf32, #tpu.memory_space<hbm>> -> memref<10000x128xf32, #tpu.memory_space<hbm>>
      tpu.enqueue_indirect_dma source(%dma_start3A_18 : memref<10000x128xf32, #tpu.memory_space<hbm>>) target(%arg9 : memref<128x128xf32, #tpu.memory_space<vmem>>) offsets(%dma_start3A_15 : memref<128xi32, #tpu.memory_space<vmem>>) semaphore(%arg11 : memref<!tpu.dma_semaphore, #tpu.memory_space<semaphore_mem>>)
      %dma_wait3A = arith.constant 0 : i32
      %dma_wait3A_19 = tpu.memref_slice %arg7[%scan3A_13, %dma_wait3A] : memref<79x128xi32, #tpu.memory_space<vmem>> -> memref<1x128xi32, #tpu.memory_space<vmem>>
      %dma_wait3A_20 = tpu.memref_squeeze %dma_wait3A_19 : memref<1x128xi32, #tpu.memory_space<vmem>> -> memref<128xi32, #tpu.memory_space<vmem>>
      %dma_wait3A_21 = arith.constant 0 : i32
      %dma_wait3A_22 = arith.constant 0 : i32
      %dma_wait3A_23 = tpu.memref_slice %arg4[%dma_wait3A_21, %dma_wait3A_22] : memref<10000x128xf32, #tpu.memory_space<hbm>> -> memref<10000x128xf32, #tpu.memory_space<hbm>>
      tpu.wait_indirect_dma semaphore(%arg11 : memref<!tpu.dma_semaphore, #tpu.memory_space<semaphore_mem>>) src(%dma_wait3A_23 : memref<10000x128xf32, #tpu.memory_space<hbm>>) dst(%arg9 : memref<128x128xf32, #tpu.memory_space<vmem>>)
      "tpu.region"() ({
        %run_scoped3A = tpu.sem_alloc : memref<!tpu.dma_semaphore, #tpu.memory_space<semaphore_mem>>
        %dma_start3A_24 = arith.constant 0 : i32
        %dma_start3A_25 = tpu.memref_slice %arg8[%scan3A_13, %dma_start3A_24] : memref<79x128xi32, #tpu.memory_space<vmem>> -> memref<1x128xi32, #tpu.memory_space<vmem>>
        %dma_start3A_26 = tpu.memref_squeeze %dma_start3A_25 : memref<1x128xi32, #tpu.memory_space<vmem>> -> memref<128xi32, #tpu.memory_space<vmem>>
        %dma_start3A_27 = arith.constant 0 : i32
        %dma_start3A_28 = arith.constant 0 : i32
        %dma_start3A_29 = tpu.memref_slice %arg10[%dma_start3A_27, %dma_start3A_28] : memref<10240x128xf32, #tpu.memory_space<vmem_shared>> -> memref<10240x128xf32, #tpu.memory_space<vmem_shared>>
        tpu.enqueue_indirect_dma source(%arg9 : memref<128x128xf32, #tpu.memory_space<vmem>>) target(%dma_start3A_29 : memref<10240x128xf32, #tpu.memory_space<vmem_shared>>) offsets(%dma_start3A_26 : memref<128xi32, #tpu.memory_space<vmem>>) semaphore(%run_scoped3A : memref<!tpu.dma_semaphore, #tpu.memory_space<semaphore_mem>>) {add = true}
        %dma_wait3A_30 = arith.constant 0 : i32
        %dma_wait3A_31 = tpu.memref_slice %arg8[%scan3A_13, %dma_wait3A_30] : memref<79x128xi32, #tpu.memory_space<vmem>> -> memref<1x128xi32, #tpu.memory_space<vmem>>
        %dma_wait3A_32 = tpu.memref_squeeze %dma_wait3A_31 : memref<1x128xi32, #tpu.memory_space<vmem>> -> memref<128xi32, #tpu.memory_space<vmem>>
        %dma_wait3A_33 = arith.constant 0 : i32
        %dma_wait3A_34 = arith.constant 0 : i32
        %dma_wait3A_35 = tpu.memref_slice %arg10[%dma_wait3A_33, %dma_wait3A_34] : memref<10240x128xf32, #tpu.memory_space<vmem_shared>> -> memref<10240x128xf32, #tpu.memory_space<vmem_shared>>
        tpu.wait_indirect_dma semaphore(%run_scoped3A : memref<!tpu.dma_semaphore, #tpu.memory_space<semaphore_mem>>) src(%arg9 : memref<128x128xf32, #tpu.memory_space<vmem>>) dst(%dma_wait3A_35 : memref<10240x128xf32, #tpu.memory_space<vmem_shared>>)
        tpu.yield
      }) : () -> ()
    }
    %scan3A_7 = arith.constant 79 : i32
    %barrier3A_8 = arith.constant 0 : index
    tpu.barrier barrier_id(%barrier3A_8)
    %mul3A_9 = arith.constant 640 : i32
    %mul3A_10 = arith.muli %arg1, %mul3A_9 : i32
    %mul3A_11 = arith.constant 640 : i32
    %mul3A_12 = arith.muli %arg1, %mul3A_11 : i32
    "tpu.region"() ({
      %run_scoped3A = tpu.sem_alloc : memref<!tpu.dma_semaphore, #tpu.memory_space<semaphore_mem>>
      %dma_start3A = arith.constant 0 : i32
      %dma_start3A_13 = tpu.memref_slice %arg6[%arg0, %mul3A_12, %dma_start3A] : memref<2x10240x128xf32, #tpu.memory_space<hbm>> -> memref<1x640x128xf32, #tpu.memory_space<hbm>>
      %dma_start3A_14 = tpu.memref_squeeze %dma_start3A_13 : memref<1x640x128xf32, #tpu.memory_space<hbm>> -> memref<640x128xf32, #tpu.memory_space<hbm>>
      %dma_start3A_15 = arith.constant 0 : i32
      %dma_start3A_16 = tpu.memref_slice %arg10[%mul3A_10, %dma_start3A_15] : memref<10240x128xf32, #tpu.memory_space<vmem_shared>> -> memref<640x128xf32, #tpu.memory_space<vmem_shared>>
      tpu.enqueue_dma source(%dma_start3A_16 : memref<640x128xf32, #tpu.memory_space<vmem_shared>>) target(%dma_start3A_14 : memref<640x128xf32, #tpu.memory_space<hbm>>) target_semaphore(%run_scoped3A : memref<!tpu.dma_semaphore, #tpu.memory_space<semaphore_mem>>)
      %dma_wait3A = arith.constant 0 : i32
      %dma_wait3A_17 = tpu.memref_slice %arg6[%arg0, %mul3A_12, %dma_wait3A] : memref<2x10240x128xf32, #tpu.memory_space<hbm>> -> memref<1x640x128xf32, #tpu.memory_space<hbm>>
      %dma_wait3A_18 = tpu.memref_squeeze %dma_wait3A_17 : memref<1x640x128xf32, #tpu.memory_space<hbm>> -> memref<640x128xf32, #tpu.memory_space<hbm>>
      %dma_wait3A_19 = arith.constant 0 : i32
      %dma_wait3A_20 = tpu.memref_slice %arg10[%mul3A_10, %dma_wait3A_19] : memref<10240x128xf32, #tpu.memory_space<vmem_shared>> -> memref<640x128xf32, #tpu.memory_space<vmem_shared>>
      tpu.wait_dma2 semaphore(%run_scoped3A : memref<!tpu.dma_semaphore, #tpu.memory_space<semaphore_mem>>) src(%dma_wait3A_20 : memref<640x128xf32, #tpu.memory_space<vmem_shared>>) dst(%dma_wait3A_18 : memref<640x128xf32, #tpu.memory_space<hbm>>)
      tpu.yield
    }) : () -> ()
    return
  }
}

#map = affine_map<(d0, d1) -> (0, 0, 0)>
#map1 = affine_map<(d0, d1) -> (0)>
module attributes {stable_mosaic.version = 14 : i64} {
  func.func @_deg_kernel(%arg0: i32, %arg1: i32, %arg2: memref<32x79x128xi32, #tpu.memory_space<hbm>>, %arg3: memref<640xf32, #tpu.memory_space<hbm>>, %arg4: memref<20480xf32, #tpu.memory_space<hbm>>, %arg5: memref<79x128xi32, #tpu.memory_space<vmem>>, %arg6: memref<128xf32, #tpu.memory_space<vmem>>, %arg7: memref<10240xf32, #tpu.memory_space<vmem_shared>>) attributes {dimension_semantics = [#tpu.dimension_semantics<core_parallel>, #tpu.dimension_semantics<subcore_parallel>], iteration_bounds = array<i64: 2, 16>, scalar_prefetch = 0 : i64, scratch_operands = 3 : i64, tpu.core_type = #tpu.core_type<sc_vector_subcore>, window_params = [{transform_indices = #map}, {transform_indices = #map1}, {transform_indices = #map1}]} {
    %mul3A = arith.constant 16 : i32
    %mul3A_0 = arith.muli %arg0, %mul3A : i32
    %add3A = arith.addi %mul3A_0, %arg1 : i32
    %mul3A_1 = arith.constant 640 : i32
    %mul3A_2 = arith.muli %arg1, %mul3A_1 : i32
    "tpu.region"() ({
      %run_scoped3A = tpu.sem_alloc : memref<!tpu.dma_semaphore, #tpu.memory_space<semaphore_mem>>
      %dma_start3A = tpu.memref_slice %arg7[%mul3A_2] : memref<10240xf32, #tpu.memory_space<vmem_shared>> -> memref<640xf32, #tpu.memory_space<vmem_shared>>
      tpu.enqueue_dma source(%arg3 : memref<640xf32, #tpu.memory_space<hbm>>) target(%dma_start3A : memref<640xf32, #tpu.memory_space<vmem_shared>>) target_semaphore(%run_scoped3A : memref<!tpu.dma_semaphore, #tpu.memory_space<semaphore_mem>>)
      %dma_wait3A = tpu.memref_slice %arg7[%mul3A_2] : memref<10240xf32, #tpu.memory_space<vmem_shared>> -> memref<640xf32, #tpu.memory_space<vmem_shared>>
      tpu.wait_dma2 semaphore(%run_scoped3A : memref<!tpu.dma_semaphore, #tpu.memory_space<semaphore_mem>>) src(%arg3 : memref<640xf32, #tpu.memory_space<hbm>>) dst(%dma_wait3A : memref<640xf32, #tpu.memory_space<vmem_shared>>)
      tpu.yield
    }) : () -> ()
    "tpu.region"() ({
      %run_scoped3A = tpu.sem_alloc : memref<!tpu.dma_semaphore, #tpu.memory_space<semaphore_mem>>
      %dma_start3A = arith.constant 0 : i32
      %dma_start3A_23 = arith.constant 0 : i32
      %dma_start3A_24 = tpu.memref_slice %arg2[%add3A, %dma_start3A, %dma_start3A_23] : memref<32x79x128xi32, #tpu.memory_space<hbm>> -> memref<1x79x128xi32, #tpu.memory_space<hbm>>
      %dma_start3A_25 = tpu.memref_squeeze %dma_start3A_24 : memref<1x79x128xi32, #tpu.memory_space<hbm>> -> memref<79x128xi32, #tpu.memory_space<hbm>>
      %dma_start3A_26 = arith.constant 0 : i32
      %dma_start3A_27 = arith.constant 0 : i32
      %dma_start3A_28 = tpu.memref_slice %arg2[%add3A, %dma_start3A_26, %dma_start3A_27] : memref<32x79x128xi32, #tpu.memory_space<hbm>> -> memref<1x79x128xi32, #tpu.memory_space<hbm>>
      %dma_start3A_29 = tpu.memref_squeeze %dma_start3A_28 : memref<1x79x128xi32, #tpu.memory_space<hbm>> -> memref<79x128xi32, #tpu.memory_space<hbm>>
      tpu.enqueue_dma source(%dma_start3A_29 : memref<79x128xi32, #tpu.memory_space<hbm>>) target(%arg5 : memref<79x128xi32, #tpu.memory_space<vmem>>) target_semaphore(%run_scoped3A : memref<!tpu.dma_semaphore, #tpu.memory_space<semaphore_mem>>)
      %dma_wait3A = arith.constant 0 : i32
      %dma_wait3A_30 = arith.constant 0 : i32
      %dma_wait3A_31 = tpu.memref_slice %arg2[%add3A, %dma_wait3A, %dma_wait3A_30] : memref<32x79x128xi32, #tpu.memory_space<hbm>> -> memref<1x79x128xi32, #tpu.memory_space<hbm>>
      %dma_wait3A_32 = tpu.memref_squeeze %dma_wait3A_31 : memref<1x79x128xi32, #tpu.memory_space<hbm>> -> memref<79x128xi32, #tpu.memory_space<hbm>>
      %dma_wait3A_33 = arith.constant 0 : i32
      %dma_wait3A_34 = arith.constant 0 : i32
      %dma_wait3A_35 = tpu.memref_slice %arg2[%add3A, %dma_wait3A_33, %dma_wait3A_34] : memref<32x79x128xi32, #tpu.memory_space<hbm>> -> memref<1x79x128xi32, #tpu.memory_space<hbm>>
      %dma_wait3A_36 = tpu.memref_squeeze %dma_wait3A_35 : memref<1x79x128xi32, #tpu.memory_space<hbm>> -> memref<79x128xi32, #tpu.memory_space<hbm>>
      tpu.wait_dma2 semaphore(%run_scoped3A : memref<!tpu.dma_semaphore, #tpu.memory_space<semaphore_mem>>) src(%dma_wait3A_36 : memref<79x128xi32, #tpu.memory_space<hbm>>) dst(%arg5 : memref<79x128xi32, #tpu.memory_space<vmem>>)
      tpu.yield
    }) : () -> ()
    %broadcast_in_dim3A = arith.constant 1.000000e+00 : f32
    %broadcast_in_dim3A_3 = vector.broadcast %broadcast_in_dim3A : f32 to vector<16xf32>
    %scan3A = arith.constant 0 : i32
    %scan3A_4 = arith.constant 0 : i32
    %scan3A_5 = arith.constant 8 : i32
    %scan3A_6 = arith.addi %scan3A_4, %scan3A_5 : i32
    %scan3A_7 = arith.constant 1 : i32
    scf.for %scan3A_23 = %scan3A_4 to %scan3A_6 step %scan3A_7  : i32 {
      %mul3A_24 = arith.constant 16 : i32
      %mul3A_25 = arith.muli %scan3A_23, %mul3A_24 : i32
      %swap3A = arith.index_cast %mul3A_25 : i32 to index
      %swap3A_26 = tpu.vector_load %arg6[%swap3A] {strides = array<i32>} : memref<128xf32, #tpu.memory_space<vmem>>, vector<16xf32>,
      %swap3A_27 = vector.shape_cast %swap3A_26 : vector<16xf32> to vector<16xf32>
      %swap3A_28 = vector.shape_cast %broadcast_in_dim3A_3 : vector<16xf32> to vector<16xf32>
      tpu.vector_store %arg6[%swap3A], %swap3A_28 {strides = array<i32>} : memref<128xf32, #tpu.memory_space<vmem>>, vector<16xf32>,
    }
    %scan3A_8 = arith.constant 8 : i32
    %barrier3A = arith.constant 0 : index
    tpu.barrier barrier_id(%barrier3A)
    %scan3A_9 = arith.constant 0 : i32
    %scan3A_10 = arith.constant 0 : i32
    %scan3A_11 = arith.constant 79 : i32
    %scan3A_12 = arith.addi %scan3A_10, %scan3A_11 : i32
    %scan3A_13 = arith.constant 1 : i32
    scf.for %scan3A_23 = %scan3A_10 to %scan3A_12 step %scan3A_13  : i32 {
      "tpu.region"() ({
        %run_scoped3A = tpu.sem_alloc : memref<!tpu.dma_semaphore, #tpu.memory_space<semaphore_mem>>
        %dma_start3A = arith.constant 0 : i32
        %dma_start3A_24 = tpu.memref_slice %arg5[%scan3A_23, %dma_start3A] : memref<79x128xi32, #tpu.memory_space<vmem>> -> memref<1x128xi32, #tpu.memory_space<vmem>>
        %dma_start3A_25 = tpu.memref_squeeze %dma_start3A_24 : memref<1x128xi32, #tpu.memory_space<vmem>> -> memref<128xi32, #tpu.memory_space<vmem>>
        %dma_start3A_26 = arith.constant 0 : i32
        %dma_start3A_27 = tpu.memref_slice %arg7[%dma_start3A_26] : memref<10240xf32, #tpu.memory_space<vmem_shared>> -> memref<10240xf32, #tpu.memory_space<vmem_shared>>
        tpu.enqueue_indirect_dma source(%arg6 : memref<128xf32, #tpu.memory_space<vmem>>) target(%dma_start3A_27 : memref<10240xf32, #tpu.memory_space<vmem_shared>>) offsets(%dma_start3A_25 : memref<128xi32, #tpu.memory_space<vmem>>) semaphore(%run_scoped3A : memref<!tpu.dma_semaphore, #tpu.memory_space<semaphore_mem>>) {add = true}
        %dma_wait3A = arith.constant 0 : i32
        %dma_wait3A_28 = tpu.memref_slice %arg5[%scan3A_23, %dma_wait3A] : memref<79x128xi32, #tpu.memory_space<vmem>> -> memref<1x128xi32, #tpu.memory_space<vmem>>
        %dma_wait3A_29 = tpu.memref_squeeze %dma_wait3A_28 : memref<1x128xi32, #tpu.memory_space<vmem>> -> memref<128xi32, #tpu.memory_space<vmem>>
        %dma_wait3A_30 = arith.constant 0 : i32
        %dma_wait3A_31 = tpu.memref_slice %arg7[%dma_wait3A_30] : memref<10240xf32, #tpu.memory_space<vmem_shared>> -> memref<10240xf32, #tpu.memory_space<vmem_shared>>
        tpu.wait_indirect_dma semaphore(%run_scoped3A : memref<!tpu.dma_semaphore, #tpu.memory_space<semaphore_mem>>) src(%arg6 : memref<128xf32, #tpu.memory_space<vmem>>) dst(%dma_wait3A_31 : memref<10240xf32, #tpu.memory_space<vmem_shared>>)
        tpu.yield
      }) : () -> ()
    }
    %scan3A_14 = arith.constant 79 : i32
    %barrier3A_15 = arith.constant 0 : index
    tpu.barrier barrier_id(%barrier3A_15)
    %mul3A_16 = arith.constant 640 : i32
    %mul3A_17 = arith.muli %arg1, %mul3A_16 : i32
    %mul3A_18 = arith.constant 10240 : i32
    %mul3A_19 = arith.muli %arg0, %mul3A_18 : i32
    %mul3A_20 = arith.constant 640 : i32
    %mul3A_21 = arith.muli %arg1, %mul3A_20 : i32
    %add3A_22 = arith.addi %mul3A_19, %mul3A_21 : i32
    "tpu.region"() ({
      %run_scoped3A = tpu.sem_alloc : memref<!tpu.dma_semaphore, #tpu.memory_space<semaphore_mem>>
      %dma_start3A = tpu.memref_slice %arg4[%add3A_22] : memref<20480xf32, #tpu.memory_space<hbm>> -> memref<640xf32, #tpu.memory_space<hbm>>
      %dma_start3A_23 = tpu.memref_slice %arg7[%mul3A_17] : memref<10240xf32, #tpu.memory_space<vmem_shared>> -> memref<640xf32, #tpu.memory_space<vmem_shared>>
      tpu.enqueue_dma source(%dma_start3A_23 : memref<640xf32, #tpu.memory_space<vmem_shared>>) target(%dma_start3A : memref<640xf32, #tpu.memory_space<hbm>>) target_semaphore(%run_scoped3A : memref<!tpu.dma_semaphore, #tpu.memory_space<semaphore_mem>>)
      %dma_wait3A = tpu.memref_slice %arg4[%add3A_22] : memref<20480xf32, #tpu.memory_space<hbm>> -> memref<640xf32, #tpu.memory_space<hbm>>
      %dma_wait3A_24 = tpu.memref_slice %arg7[%mul3A_17] : memref<10240xf32, #tpu.memory_space<vmem_shared>> -> memref<640xf32, #tpu.memory_space<vmem_shared>>
      tpu.wait_dma2 semaphore(%run_scoped3A : memref<!tpu.dma_semaphore, #tpu.memory_space<semaphore_mem>>) src(%dma_wait3A_24 : memref<640xf32, #tpu.memory_space<vmem_shared>>) dst(%dma_wait3A : memref<640xf32, #tpu.memory_space<hbm>>)
      tpu.yield
    }) : () -> ()
    return
  }
}

#map = affine_map<(d0, d1) -> (0, 0, 0)>
#map1 = affine_map<(d0, d1) -> (0, 0)>
module attributes {stable_mosaic.version = 14 : i64} {
  func.func @_agg_kernel(%arg0: i32, %arg1: i32, %arg2: memref<32x79x128xi32, #tpu.memory_space<hbm>>, %arg3: memref<32x79x128xi32, #tpu.memory_space<hbm>>, %arg4: memref<10000x128xf32, #tpu.memory_space<hbm>>, %arg5: memref<640x128xf32, #tpu.memory_space<hbm>>, %arg6: memref<2x10240x128xf32, #tpu.memory_space<hbm>>, %arg7: memref<79x128xi32, #tpu.memory_space<vmem>>, %arg8: memref<79x128xi32, #tpu.memory_space<vmem>>, %arg9: memref<128x128xf32, #tpu.memory_space<vmem>>, %arg10: memref<10240x128xf32, #tpu.memory_space<vmem_shared>>, %arg11: memref<!tpu.dma_semaphore, #tpu.memory_space<semaphore_mem>>) attributes {dimension_semantics = [#tpu.dimension_semantics<core_parallel>, #tpu.dimension_semantics<subcore_parallel>], iteration_bounds = array<i64: 2, 16>, scalar_prefetch = 0 : i64, scratch_operands = 5 : i64, tpu.core_type = #tpu.core_type<sc_vector_subcore>, window_params = [{transform_indices = #map}, {transform_indices = #map}, {transform_indices = #map1}, {transform_indices = #map1}, {transform_indices = #map}]} {
    %mul3A = arith.constant 16 : i32
    %mul3A_0 = arith.muli %arg0, %mul3A : i32
    %add3A = arith.addi %mul3A_0, %arg1 : i32
    %mul3A_1 = arith.constant 640 : i32
    %mul3A_2 = arith.muli %arg1, %mul3A_1 : i32
    "tpu.region"() ({
      %run_scoped3A = tpu.sem_alloc : memref<!tpu.dma_semaphore, #tpu.memory_space<semaphore_mem>>
      %dma_start3A = arith.constant 0 : i32
      %dma_start3A_13 = tpu.memref_slice %arg10[%mul3A_2, %dma_start3A] : memref<10240x128xf32, #tpu.memory_space<vmem_shared>> -> memref<640x128xf32, #tpu.memory_space<vmem_shared>>
      tpu.enqueue_dma source(%arg5 : memref<640x128xf32, #tpu.memory_space<hbm>>) target(%dma_start3A_13 : memref<640x128xf32, #tpu.memory_space<vmem_shared>>) target_semaphore(%run_scoped3A : memref<!tpu.dma_semaphore, #tpu.memory_space<semaphore_mem>>)
      %dma_wait3A = arith.constant 0 : i32
      %dma_wait3A_14 = tpu.memref_slice %arg10[%mul3A_2, %dma_wait3A] : memref<10240x128xf32, #tpu.memory_space<vmem_shared>> -> memref<640x128xf32, #tpu.memory_space<vmem_shared>>
      tpu.wait_dma2 semaphore(%run_scoped3A : memref<!tpu.dma_semaphore, #tpu.memory_space<semaphore_mem>>) src(%arg5 : memref<640x128xf32, #tpu.memory_space<hbm>>) dst(%dma_wait3A_14 : memref<640x128xf32, #tpu.memory_space<vmem_shared>>)
      tpu.yield
    }) : () -> ()
    "tpu.region"() ({
      %run_scoped3A = tpu.sem_alloc : memref<!tpu.dma_semaphore, #tpu.memory_space<semaphore_mem>>
      %dma_start3A = arith.constant 0 : i32
      %dma_start3A_13 = arith.constant 0 : i32
      %dma_start3A_14 = tpu.memref_slice %arg2[%add3A, %dma_start3A, %dma_start3A_13] : memref<32x79x128xi32, #tpu.memory_space<hbm>> -> memref<1x79x128xi32, #tpu.memory_space<hbm>>
      %dma_start3A_15 = tpu.memref_squeeze %dma_start3A_14 : memref<1x79x128xi32, #tpu.memory_space<hbm>> -> memref<79x128xi32, #tpu.memory_space<hbm>>
      %dma_start3A_16 = arith.constant 0 : i32
      %dma_start3A_17 = arith.constant 0 : i32
      %dma_start3A_18 = tpu.memref_slice %arg2[%add3A, %dma_start3A_16, %dma_start3A_17] : memref<32x79x128xi32, #tpu.memory_space<hbm>> -> memref<1x79x128xi32, #tpu.memory_space<hbm>>
      %dma_start3A_19 = tpu.memref_squeeze %dma_start3A_18 : memref<1x79x128xi32, #tpu.memory_space<hbm>> -> memref<79x128xi32, #tpu.memory_space<hbm>>
      tpu.enqueue_dma source(%dma_start3A_19 : memref<79x128xi32, #tpu.memory_space<hbm>>) target(%arg7 : memref<79x128xi32, #tpu.memory_space<vmem>>) target_semaphore(%run_scoped3A : memref<!tpu.dma_semaphore, #tpu.memory_space<semaphore_mem>>)
      %dma_wait3A = arith.constant 0 : i32
      %dma_wait3A_20 = arith.constant 0 : i32
      %dma_wait3A_21 = tpu.memref_slice %arg2[%add3A, %dma_wait3A, %dma_wait3A_20] : memref<32x79x128xi32, #tpu.memory_space<hbm>> -> memref<1x79x128xi32, #tpu.memory_space<hbm>>
      %dma_wait3A_22 = tpu.memref_squeeze %dma_wait3A_21 : memref<1x79x128xi32, #tpu.memory_space<hbm>> -> memref<79x128xi32, #tpu.memory_space<hbm>>
      %dma_wait3A_23 = arith.constant 0 : i32
      %dma_wait3A_24 = arith.constant 0 : i32
      %dma_wait3A_25 = tpu.memref_slice %arg2[%add3A, %dma_wait3A_23, %dma_wait3A_24] : memref<32x79x128xi32, #tpu.memory_space<hbm>> -> memref<1x79x128xi32, #tpu.memory_space<hbm>>
      %dma_wait3A_26 = tpu.memref_squeeze %dma_wait3A_25 : memref<1x79x128xi32, #tpu.memory_space<hbm>> -> memref<79x128xi32, #tpu.memory_space<hbm>>
      tpu.wait_dma2 semaphore(%run_scoped3A : memref<!tpu.dma_semaphore, #tpu.memory_space<semaphore_mem>>) src(%dma_wait3A_26 : memref<79x128xi32, #tpu.memory_space<hbm>>) dst(%arg7 : memref<79x128xi32, #tpu.memory_space<vmem>>)
      tpu.yield
    }) : () -> ()
    "tpu.region"() ({
      %run_scoped3A = tpu.sem_alloc : memref<!tpu.dma_semaphore, #tpu.memory_space<semaphore_mem>>
      %dma_start3A = arith.constant 0 : i32
      %dma_start3A_13 = arith.constant 0 : i32
      %dma_start3A_14 = tpu.memref_slice %arg3[%add3A, %dma_start3A, %dma_start3A_13] : memref<32x79x128xi32, #tpu.memory_space<hbm>> -> memref<1x79x128xi32, #tpu.memory_space<hbm>>
      %dma_start3A_15 = tpu.memref_squeeze %dma_start3A_14 : memref<1x79x128xi32, #tpu.memory_space<hbm>> -> memref<79x128xi32, #tpu.memory_space<hbm>>
      %dma_start3A_16 = arith.constant 0 : i32
      %dma_start3A_17 = arith.constant 0 : i32
      %dma_start3A_18 = tpu.memref_slice %arg3[%add3A, %dma_start3A_16, %dma_start3A_17] : memref<32x79x128xi32, #tpu.memory_space<hbm>> -> memref<1x79x128xi32, #tpu.memory_space<hbm>>
      %dma_start3A_19 = tpu.memref_squeeze %dma_start3A_18 : memref<1x79x128xi32, #tpu.memory_space<hbm>> -> memref<79x128xi32, #tpu.memory_space<hbm>>
      tpu.enqueue_dma source(%dma_start3A_19 : memref<79x128xi32, #tpu.memory_space<hbm>>) target(%arg8 : memref<79x128xi32, #tpu.memory_space<vmem>>) target_semaphore(%run_scoped3A : memref<!tpu.dma_semaphore, #tpu.memory_space<semaphore_mem>>)
      %dma_wait3A = arith.constant 0 : i32
      %dma_wait3A_20 = arith.constant 0 : i32
      %dma_wait3A_21 = tpu.memref_slice %arg3[%add3A, %dma_wait3A, %dma_wait3A_20] : memref<32x79x128xi32, #tpu.memory_space<hbm>> -> memref<1x79x128xi32, #tpu.memory_space<hbm>>
      %dma_wait3A_22 = tpu.memref_squeeze %dma_wait3A_21 : memref<1x79x128xi32, #tpu.memory_space<hbm>> -> memref<79x128xi32, #tpu.memory_space<hbm>>
      %dma_wait3A_23 = arith.constant 0 : i32
      %dma_wait3A_24 = arith.constant 0 : i32
      %dma_wait3A_25 = tpu.memref_slice %arg3[%add3A, %dma_wait3A_23, %dma_wait3A_24] : memref<32x79x128xi32, #tpu.memory_space<hbm>> -> memref<1x79x128xi32, #tpu.memory_space<hbm>>
      %dma_wait3A_26 = tpu.memref_squeeze %dma_wait3A_25 : memref<1x79x128xi32, #tpu.memory_space<hbm>> -> memref<79x128xi32, #tpu.memory_space<hbm>>
      tpu.wait_dma2 semaphore(%run_scoped3A : memref<!tpu.dma_semaphore, #tpu.memory_space<semaphore_mem>>) src(%dma_wait3A_26 : memref<79x128xi32, #tpu.memory_space<hbm>>) dst(%arg8 : memref<79x128xi32, #tpu.memory_space<vmem>>)
      tpu.yield
    }) : () -> ()
    %barrier3A = arith.constant 0 : index
    tpu.barrier barrier_id(%barrier3A)
    %scan3A = arith.constant 0 : i32
    %scan3A_3 = arith.constant 0 : i32
    %scan3A_4 = arith.constant 79 : i32
    %scan3A_5 = arith.addi %scan3A_3, %scan3A_4 : i32
    %scan3A_6 = arith.constant 1 : i32
    scf.for %scan3A_13 = %scan3A_3 to %scan3A_5 step %scan3A_6  : i32 {
      %dma_start3A = arith.constant 0 : i32
      %dma_start3A_14 = tpu.memref_slice %arg7[%scan3A_13, %dma_start3A] : memref<79x128xi32, #tpu.memory_space<vmem>> -> memref<1x128xi32, #tpu.memory_space<vmem>>
      %dma_start3A_15 = tpu.memref_squeeze %dma_start3A_14 : memref<1x128xi32, #tpu.memory_space<vmem>> -> memref<128xi32, #tpu.memory_space<vmem>>
      %dma_start3A_16 = arith.constant 0 : i32
      %dma_start3A_17 = arith.constant 0 : i32
      %dma_start3A_18 = tpu.memref_slice %arg4[%dma_start3A_16, %dma_start3A_17] : memref<10000x128xf32, #tpu.memory_space<hbm>> -> memref<10000x128xf32, #tpu.memory_space<hbm>>
      tpu.enqueue_indirect_dma source(%dma_start3A_18 : memref<10000x128xf32, #tpu.memory_space<hbm>>) target(%arg9 : memref<128x128xf32, #tpu.memory_space<vmem>>) offsets(%dma_start3A_15 : memref<128xi32, #tpu.memory_space<vmem>>) semaphore(%arg11 : memref<!tpu.dma_semaphore, #tpu.memory_space<semaphore_mem>>)
      %dma_wait3A = arith.constant 0 : i32
      %dma_wait3A_19 = tpu.memref_slice %arg7[%scan3A_13, %dma_wait3A] : memref<79x128xi32, #tpu.memory_space<vmem>> -> memref<1x128xi32, #tpu.memory_space<vmem>>
      %dma_wait3A_20 = tpu.memref_squeeze %dma_wait3A_19 : memref<1x128xi32, #tpu.memory_space<vmem>> -> memref<128xi32, #tpu.memory_space<vmem>>
      %dma_wait3A_21 = arith.constant 0 : i32
      %dma_wait3A_22 = arith.constant 0 : i32
      %dma_wait3A_23 = tpu.memref_slice %arg4[%dma_wait3A_21, %dma_wait3A_22] : memref<10000x128xf32, #tpu.memory_space<hbm>> -> memref<10000x128xf32, #tpu.memory_space<hbm>>
      tpu.wait_indirect_dma semaphore(%arg11 : memref<!tpu.dma_semaphore, #tpu.memory_space<semaphore_mem>>) src(%dma_wait3A_23 : memref<10000x128xf32, #tpu.memory_space<hbm>>) dst(%arg9 : memref<128x128xf32, #tpu.memory_space<vmem>>)
      "tpu.region"() ({
        %run_scoped3A = tpu.sem_alloc : memref<!tpu.dma_semaphore, #tpu.memory_space<semaphore_mem>>
        %dma_start3A_24 = arith.constant 0 : i32
        %dma_start3A_25 = tpu.memref_slice %arg8[%scan3A_13, %dma_start3A_24] : memref<79x128xi32, #tpu.memory_space<vmem>> -> memref<1x128xi32, #tpu.memory_space<vmem>>
        %dma_start3A_26 = tpu.memref_squeeze %dma_start3A_25 : memref<1x128xi32, #tpu.memory_space<vmem>> -> memref<128xi32, #tpu.memory_space<vmem>>
        %dma_start3A_27 = arith.constant 0 : i32
        %dma_start3A_28 = arith.constant 0 : i32
        %dma_start3A_29 = tpu.memref_slice %arg10[%dma_start3A_27, %dma_start3A_28] : memref<10240x128xf32, #tpu.memory_space<vmem_shared>> -> memref<10240x128xf32, #tpu.memory_space<vmem_shared>>
        tpu.enqueue_indirect_dma source(%arg9 : memref<128x128xf32, #tpu.memory_space<vmem>>) target(%dma_start3A_29 : memref<10240x128xf32, #tpu.memory_space<vmem_shared>>) offsets(%dma_start3A_26 : memref<128xi32, #tpu.memory_space<vmem>>) semaphore(%run_scoped3A : memref<!tpu.dma_semaphore, #tpu.memory_space<semaphore_mem>>) {add = true}
        %dma_wait3A_30 = arith.constant 0 : i32
        %dma_wait3A_31 = tpu.memref_slice %arg8[%scan3A_13, %dma_wait3A_30] : memref<79x128xi32, #tpu.memory_space<vmem>> -> memref<1x128xi32, #tpu.memory_space<vmem>>
        %dma_wait3A_32 = tpu.memref_squeeze %dma_wait3A_31 : memref<1x128xi32, #tpu.memory_space<vmem>> -> memref<128xi32, #tpu.memory_space<vmem>>
        %dma_wait3A_33 = arith.constant 0 : i32
        %dma_wait3A_34 = arith.constant 0 : i32
        %dma_wait3A_35 = tpu.memref_slice %arg10[%dma_wait3A_33, %dma_wait3A_34] : memref<10240x128xf32, #tpu.memory_space<vmem_shared>> -> memref<10240x128xf32, #tpu.memory_space<vmem_shared>>
        tpu.wait_indirect_dma semaphore(%run_scoped3A : memref<!tpu.dma_semaphore, #tpu.memory_space<semaphore_mem>>) src(%arg9 : memref<128x128xf32, #tpu.memory_space<vmem>>) dst(%dma_wait3A_35 : memref<10240x128xf32, #tpu.memory_space<vmem_shared>>)
        tpu.yield
      }) : () -> ()
    }
    %scan3A_7 = arith.constant 79 : i32
    %barrier3A_8 = arith.constant 0 : index
    tpu.barrier barrier_id(%barrier3A_8)
    %mul3A_9 = arith.constant 640 : i32
    %mul3A_10 = arith.muli %arg1, %mul3A_9 : i32
    %mul3A_11 = arith.constant 640 : i32
    %mul3A_12 = arith.muli %arg1, %mul3A_11 : i32
    "tpu.region"() ({
      %run_scoped3A = tpu.sem_alloc : memref<!tpu.dma_semaphore, #tpu.memory_space<semaphore_mem>>
      %dma_start3A = arith.constant 0 : i32
      %dma_start3A_13 = tpu.memref_slice %arg6[%arg0, %mul3A_12, %dma_start3A] : memref<2x10240x128xf32, #tpu.memory_space<hbm>> -> memref<1x640x128xf32, #tpu.memory_space<hbm>>
      %dma_start3A_14 = tpu.memref_squeeze %dma_start3A_13 : memref<1x640x128xf32, #tpu.memory_space<hbm>> -> memref<640x128xf32, #tpu.memory_space<hbm>>
      %dma_start3A_15 = arith.constant 0 : i32
      %dma_start3A_16 = tpu.memref_slice %arg10[%mul3A_10, %dma_start3A_15] : memref<10240x128xf32, #tpu.memory_space<vmem_shared>> -> memref<640x128xf32, #tpu.memory_space<vmem_shared>>
      tpu.enqueue_dma source(%dma_start3A_16 : memref<640x128xf32, #tpu.memory_space<vmem_shared>>) target(%dma_start3A_14 : memref<640x128xf32, #tpu.memory_space<hbm>>) target_semaphore(%run_scoped3A : memref<!tpu.dma_semaphore, #tpu.memory_space<semaphore_mem>>)
      %dma_wait3A = arith.constant 0 : i32
      %dma_wait3A_17 = tpu.memref_slice %arg6[%arg0, %mul3A_12, %dma_wait3A] : memref<2x10240x128xf32, #tpu.memory_space<hbm>> -> memref<1x640x128xf32, #tpu.memory_space<hbm>>
      %dma_wait3A_18 = tpu.memref_squeeze %dma_wait3A_17 : memref<1x640x128xf32, #tpu.memory_space<hbm>> -> memref<640x128xf32, #tpu.memory_space<hbm>>
      %dma_wait3A_19 = arith.constant 0 : i32
      %dma_wait3A_20 = tpu.memref_slice %arg10[%mul3A_10, %dma_wait3A_19] : memref<10240x128xf32, #tpu.memory_space<vmem_shared>> -> memref<640x128xf32, #tpu.memory_space<vmem_shared>>
      tpu.wait_dma2 semaphore(%run_scoped3A : memref<!tpu.dma_semaphore, #tpu.memory_space<semaphore_mem>>) src(%dma_wait3A_20 : memref<640x128xf32, #tpu.memory_space<vmem_shared>>) dst(%dma_wait3A_18 : memref<640x128xf32, #tpu.memory_space<hbm>>)
      tpu.yield
    }) : () -> ()
    return
  }
}

module attributes {stable_mosaic.version = 14 : i64} {
  func.func @_tc1_body(%arg0: memref<10240x2xf32, #tpu.memory_space<vmem>>, %arg1: memref<10000x128xf32, #tpu.memory_space<vmem>>, %arg2: memref<128x128xf32, #tpu.memory_space<vmem>>, %arg3: memref<128xf32, #tpu.memory_space<vmem>>, %arg4: memref<10000x1xf32, #tpu.memory_space<vmem>>, %arg5: memref<10000x128xf32, #tpu.memory_space<vmem>>) attributes {dimension_semantics = [], scalar_prefetch = 0 : i64, scratch_operands = 0 : i64, tpu.core_type = #tpu.core_type<tc>} {
    %get3A = arith.constant 0 : index
    %get3A_0 = arith.constant 0 : index
    %get3A_1 = vector.load %arg0[%get3A, %get3A_0] : memref<10240x2xf32, #tpu.memory_space<vmem>>, vector<10240x2xf32>
    %reduce_sum3A = arith.constant dense<0.000000e+00> : vector<10240xf32>
    %reduce_sum3A_2 = vector.multi_reduction <add>, %get3A_1, %reduce_sum3A [1] : vector<10240x2xf32> to vector<10240xf32>
    %broadcast_in_dim3A = vector.shape_cast %reduce_sum3A_2 : vector<10240xf32> to vector<10240x1xf32>
    %add3A = arith.constant 1.000000e+00 : f32
    %add3A_3 = vector.broadcast %add3A : f32 to vector<10240x1xf32>
    %add3A_4 = arith.addf %broadcast_in_dim3A, %add3A_3 : vector<10240x1xf32>
    %slice3A = vector.extract_strided_slice %add3A_4 {offsets = [0, 0], sizes = [10000, 1], strides = [1, 1]} : vector<10240x1xf32> to vector<10000x1xf32>
    %rsqrt3A = math.rsqrt %slice3A : vector<10000x1xf32>
    %get3A_5 = arith.constant 0 : index
    %get3A_6 = arith.constant 0 : index
    %get3A_7 = vector.load %arg1[%get3A_5, %get3A_6] : memref<10000x128xf32, #tpu.memory_space<vmem>>, vector<10000x128xf32>
    %get3A_8 = arith.constant 0 : index
    %get3A_9 = arith.constant 0 : index
    %get3A_10 = vector.load %arg2[%get3A_8, %get3A_9] : memref<128x128xf32, #tpu.memory_space<vmem>>, vector<128x128xf32>
    %dot_general3A = arith.constant dense<0.000000e+00> : vector<10000x128xf32>
    %dot_general3A_11 = tpu.matmul %get3A_7, %get3A_10, %dot_general3A {dimension_numbers = #tpu.dot_dimension_numbers<[1], [0], [0], [1], [0, 0, 1, 1], [], []>, transpose_lhs_hint = false} : vector<10000x128xf32>, vector<128x128xf32>, vector<10000x128xf32> -> vector<10000x128xf32>
    %get3A_12 = arith.constant 0 : index
    %get3A_13 = vector.load %arg3[%get3A_12] : memref<128xf32, #tpu.memory_space<vmem>>, vector<128xf32>
    %broadcast_in_dim3A_14 = vector.shape_cast %get3A_13 : vector<128xf32> to vector<1x128xf32>
    %add3A_15 = vector.broadcast %broadcast_in_dim3A_14 : vector<1x128xf32> to vector<10000x128xf32>
    %add3A_16 = arith.addf %dot_general3A_11, %add3A_15 : vector<10000x128xf32>
    %swap3A = arith.constant 0 : index
    %swap3A_17 = arith.constant 0 : index
    %swap3A_18 = vector.load %arg4[%swap3A, %swap3A_17] : memref<10000x1xf32, #tpu.memory_space<vmem>>, vector<10000x1xf32>
    tpu.vector_store %arg4[%swap3A, %swap3A_17], %rsqrt3A {strides = array<i32>} : memref<10000x1xf32, #tpu.memory_space<vmem>>, vector<10000x1xf32>,
    %mul3A = vector.broadcast %rsqrt3A : vector<10000x1xf32> to vector<10000x128xf32>
    %mul3A_19 = arith.mulf %add3A_16, %mul3A : vector<10000x128xf32>
    %swap3A_20 = arith.constant 0 : index
    %swap3A_21 = arith.constant 0 : index
    %swap3A_22 = vector.load %arg5[%swap3A_20, %swap3A_21] : memref<10000x128xf32, #tpu.memory_space<vmem>>, vector<10000x128xf32>
    tpu.vector_store %arg5[%swap3A_20, %swap3A_21], %mul3A_19 {strides = array<i32>} : memref<10000x128xf32, #tpu.memory_space<vmem>>, vector<10000x128xf32>,
    return
  }
}

module attributes {stable_mosaic.version = 14 : i64} {
  func.func @_tc2_body(%arg0: memref<2x10240x128xf32, #tpu.memory_space<vmem>>, %arg1: memref<10000x128xf32, #tpu.memory_space<vmem>>, %arg2: memref<10000x1xf32, #tpu.memory_space<vmem>>, %arg3: memref<128xf32, #tpu.memory_space<vmem>>, %arg4: memref<128xf32, #tpu.memory_space<vmem>>, %arg5: memref<128x128xf32, #tpu.memory_space<vmem>>, %arg6: memref<128xf32, #tpu.memory_space<vmem>>, %arg7: memref<10000x128xf32, #tpu.memory_space<vmem>>) attributes {dimension_semantics = [], scalar_prefetch = 0 : i64, scratch_operands = 0 : i64, tpu.core_type = #tpu.core_type<tc>} {
    %get3A = arith.constant 0 : index
    %get3A_0 = arith.constant 0 : index
    %get3A_1 = arith.constant 0 : index
    %get3A_2 = vector.load %arg0[%get3A, %get3A_0, %get3A_1] : memref<2x10240x128xf32, #tpu.memory_space<vmem>>, vector<1x10000x128xf32>
    %get3A_3 = vector.shape_cast %get3A_2 : vector<1x10000x128xf32> to vector<10000x128xf32>
    %get3A_4 = arith.constant 1 : index
    %get3A_5 = arith.constant 0 : index
    %get3A_6 = arith.constant 0 : index
    %get3A_7 = vector.load %arg0[%get3A_4, %get3A_5, %get3A_6] : memref<2x10240x128xf32, #tpu.memory_space<vmem>>, vector<1x10000x128xf32>
    %get3A_8 = vector.shape_cast %get3A_7 : vector<1x10000x128xf32> to vector<10000x128xf32>
    %add3A = arith.addf %get3A_3, %get3A_8 : vector<10000x128xf32>
    %get3A_9 = arith.constant 0 : index
    %get3A_10 = arith.constant 0 : index
    %get3A_11 = vector.load %arg1[%get3A_9, %get3A_10] : memref<10000x128xf32, #tpu.memory_space<vmem>>, vector<10000x128xf32>
    %add3A_12 = arith.addf %add3A, %get3A_11 : vector<10000x128xf32>
    %get3A_13 = arith.constant 0 : index
    %get3A_14 = arith.constant 0 : index
    %get3A_15 = vector.load %arg2[%get3A_13, %get3A_14] : memref<10000x1xf32, #tpu.memory_space<vmem>>, vector<10000x1xf32>
    %mul3A = vector.broadcast %get3A_15 : vector<10000x1xf32> to vector<10000x128xf32>
    %mul3A_16 = arith.mulf %add3A_12, %mul3A : vector<10000x128xf32>
    %reduce_sum3A = arith.constant dense<0.000000e+00> : vector<128xf32>
    %reduce_sum3A_17 = vector.multi_reduction <add>, %mul3A_16, %reduce_sum3A [0] : vector<10000x128xf32> to vector<128xf32>
    %broadcast_in_dim3A = vector.shape_cast %reduce_sum3A_17 : vector<128xf32> to vector<1x128xf32>
    %div3A = arith.constant 1.000000e+04 : f32
    %div3A_18 = vector.broadcast %div3A : f32 to vector<1x128xf32>
    %div3A_19 = arith.divf %broadcast_in_dim3A, %div3A_18 : vector<1x128xf32>
    %mul3A_20 = arith.mulf %mul3A_16, %mul3A_16 : vector<10000x128xf32>
    %reduce_sum3A_21 = arith.constant dense<0.000000e+00> : vector<128xf32>
    %reduce_sum3A_22 = vector.multi_reduction <add>, %mul3A_20, %reduce_sum3A_21 [0] : vector<10000x128xf32> to vector<128xf32>
    %broadcast_in_dim3A_23 = vector.shape_cast %reduce_sum3A_22 : vector<128xf32> to vector<1x128xf32>
    %div3A_24 = arith.constant 1.000000e+04 : f32
    %div3A_25 = vector.broadcast %div3A_24 : f32 to vector<1x128xf32>
    %div3A_26 = arith.divf %broadcast_in_dim3A_23, %div3A_25 : vector<1x128xf32>
    %mul3A_27 = arith.mulf %div3A_19, %div3A_19 : vector<1x128xf32>
    %sub3A = arith.subf %div3A_26, %mul3A_27 : vector<1x128xf32>
    %get3A_28 = arith.constant 0 : index
    %get3A_29 = vector.load %arg3[%get3A_28] : memref<128xf32, #tpu.memory_space<vmem>>, vector<128xf32>
    %sub3A_30 = vector.broadcast %div3A_19 : vector<1x128xf32> to vector<10000x128xf32>
    %sub3A_31 = arith.subf %mul3A_16, %sub3A_30 : vector<10000x128xf32>
    %broadcast_in_dim3A_32 = vector.shape_cast %get3A_29 : vector<128xf32> to vector<1x128xf32>
    %mul3A_33 = vector.broadcast %broadcast_in_dim3A_32 : vector<1x128xf32> to vector<10000x128xf32>
    %mul3A_34 = arith.mulf %mul3A_33, %sub3A_31 : vector<10000x128xf32>
    %add3A_35 = arith.constant 9.99999974E-6 : f32
    %add3A_36 = vector.broadcast %add3A_35 : f32 to vector<1x128xf32>
    %add3A_37 = arith.addf %sub3A, %add3A_36 : vector<1x128xf32>
    %rsqrt3A = math.rsqrt %add3A_37 : vector<1x128xf32>
    %mul3A_38 = vector.broadcast %rsqrt3A : vector<1x128xf32> to vector<10000x128xf32>
    %mul3A_39 = arith.mulf %mul3A_34, %mul3A_38 : vector<10000x128xf32>
    %get3A_40 = arith.constant 0 : index
    %get3A_41 = vector.load %arg4[%get3A_40] : memref<128xf32, #tpu.memory_space<vmem>>, vector<128xf32>
    %broadcast_in_dim3A_42 = vector.shape_cast %get3A_41 : vector<128xf32> to vector<1x128xf32>
    %add3A_43 = vector.broadcast %broadcast_in_dim3A_42 : vector<1x128xf32> to vector<10000x128xf32>
    %add3A_44 = arith.addf %mul3A_39, %add3A_43 : vector<10000x128xf32>
    %max3A = arith.constant 0.000000e+00 : f32
    %max3A_45 = vector.broadcast %max3A : f32 to vector<10000x128xf32>
    %max3A_46 = arith.maximumf %add3A_44, %max3A_45 : vector<10000x128xf32>
    %get3A_47 = arith.constant 0 : index
    %get3A_48 = arith.constant 0 : index
    %get3A_49 = vector.load %arg5[%get3A_47, %get3A_48] : memref<128x128xf32, #tpu.memory_space<vmem>>, vector<128x128xf32>
    %dot_general3A = arith.constant dense<0.000000e+00> : vector<10000x128xf32>
    %dot_general3A_50 = tpu.matmul %max3A_46, %get3A_49, %dot_general3A {dimension_numbers = #tpu.dot_dimension_numbers<[1], [0], [0], [1], [0, 0, 1, 1], [], []>, transpose_lhs_hint = false} : vector<10000x128xf32>, vector<128x128xf32>, vector<10000x128xf32> -> vector<10000x128xf32>
    %get3A_51 = arith.constant 0 : index
    %get3A_52 = vector.load %arg6[%get3A_51] : memref<128xf32, #tpu.memory_space<vmem>>, vector<128xf32>
    %broadcast_in_dim3A_53 = vector.shape_cast %get3A_52 : vector<128xf32> to vector<1x128xf32>
    %add3A_54 = vector.broadcast %broadcast_in_dim3A_53 : vector<1x128xf32> to vector<10000x128xf32>
    %add3A_55 = arith.addf %dot_general3A_50, %add3A_54 : vector<10000x128xf32>
    %get3A_56 = arith.constant 0 : index
    %get3A_57 = arith.constant 0 : index
    %get3A_58 = vector.load %arg2[%get3A_56, %get3A_57] : memref<10000x1xf32, #tpu.memory_space<vmem>>, vector<10000x1xf32>
    %mul3A_59 = vector.broadcast %get3A_58 : vector<10000x1xf32> to vector<10000x128xf32>
    %mul3A_60 = arith.mulf %add3A_55, %mul3A_59 : vector<10000x128xf32>
    %swap3A = arith.constant 0 : index
    %swap3A_61 = arith.constant 0 : index
    %swap3A_62 = vector.load %arg7[%swap3A, %swap3A_61] : memref<10000x128xf32, #tpu.memory_space<vmem>>, vector<10000x128xf32>
    tpu.vector_store %arg7[%swap3A, %swap3A_61], %mul3A_60 {strides = array<i32>} : memref<10000x128xf32, #tpu.memory_space<vmem>>, vector<10000x128xf32>,
    return
  }
}

module attributes {stable_mosaic.version = 14 : i64} {
  func.func @_tc3_body(%arg0: memref<2x10240x128xf32, #tpu.memory_space<vmem>>, %arg1: memref<10000x128xf32, #tpu.memory_space<vmem>>, %arg2: memref<10000x1xf32, #tpu.memory_space<vmem>>, %arg3: memref<128xf32, #tpu.memory_space<vmem>>, %arg4: memref<128xf32, #tpu.memory_space<vmem>>, %arg5: memref<10000x128xf32, #tpu.memory_space<vmem>>) attributes {dimension_semantics = [], scalar_prefetch = 0 : i64, scratch_operands = 0 : i64, tpu.core_type = #tpu.core_type<tc>} {
    %get3A = arith.constant 0 : index
    %get3A_0 = arith.constant 0 : index
    %get3A_1 = arith.constant 0 : index
    %get3A_2 = vector.load %arg0[%get3A, %get3A_0, %get3A_1] : memref<2x10240x128xf32, #tpu.memory_space<vmem>>, vector<1x10000x128xf32>
    %get3A_3 = vector.shape_cast %get3A_2 : vector<1x10000x128xf32> to vector<10000x128xf32>
    %get3A_4 = arith.constant 1 : index
    %get3A_5 = arith.constant 0 : index
    %get3A_6 = arith.constant 0 : index
    %get3A_7 = vector.load %arg0[%get3A_4, %get3A_5, %get3A_6] : memref<2x10240x128xf32, #tpu.memory_space<vmem>>, vector<1x10000x128xf32>
    %get3A_8 = vector.shape_cast %get3A_7 : vector<1x10000x128xf32> to vector<10000x128xf32>
    %add3A = arith.addf %get3A_3, %get3A_8 : vector<10000x128xf32>
    %get3A_9 = arith.constant 0 : index
    %get3A_10 = arith.constant 0 : index
    %get3A_11 = vector.load %arg1[%get3A_9, %get3A_10] : memref<10000x128xf32, #tpu.memory_space<vmem>>, vector<10000x128xf32>
    %add3A_12 = arith.addf %add3A, %get3A_11 : vector<10000x128xf32>
    %get3A_13 = arith.constant 0 : index
    %get3A_14 = arith.constant 0 : index
    %get3A_15 = vector.load %arg2[%get3A_13, %get3A_14] : memref<10000x1xf32, #tpu.memory_space<vmem>>, vector<10000x1xf32>
    %mul3A = vector.broadcast %get3A_15 : vector<10000x1xf32> to vector<10000x128xf32>
    %mul3A_16 = arith.mulf %add3A_12, %mul3A : vector<10000x128xf32>
    %reduce_sum3A = arith.constant dense<0.000000e+00> : vector<128xf32>
    %reduce_sum3A_17 = vector.multi_reduction <add>, %mul3A_16, %reduce_sum3A [0] : vector<10000x128xf32> to vector<128xf32>
    %broadcast_in_dim3A = vector.shape_cast %reduce_sum3A_17 : vector<128xf32> to vector<1x128xf32>
    %div3A = arith.constant 1.000000e+04 : f32
    %div3A_18 = vector.broadcast %div3A : f32 to vector<1x128xf32>
    %div3A_19 = arith.divf %broadcast_in_dim3A, %div3A_18 : vector<1x128xf32>
    %mul3A_20 = arith.mulf %mul3A_16, %mul3A_16 : vector<10000x128xf32>
    %reduce_sum3A_21 = arith.constant dense<0.000000e+00> : vector<128xf32>
    %reduce_sum3A_22 = vector.multi_reduction <add>, %mul3A_20, %reduce_sum3A_21 [0] : vector<10000x128xf32> to vector<128xf32>
    %broadcast_in_dim3A_23 = vector.shape_cast %reduce_sum3A_22 : vector<128xf32> to vector<1x128xf32>
    %div3A_24 = arith.constant 1.000000e+04 : f32
    %div3A_25 = vector.broadcast %div3A_24 : f32 to vector<1x128xf32>
    %div3A_26 = arith.divf %broadcast_in_dim3A_23, %div3A_25 : vector<1x128xf32>
    %mul3A_27 = arith.mulf %div3A_19, %div3A_19 : vector<1x128xf32>
    %sub3A = arith.subf %div3A_26, %mul3A_27 : vector<1x128xf32>
    %get3A_28 = arith.constant 0 : index
    %get3A_29 = vector.load %arg3[%get3A_28] : memref<128xf32, #tpu.memory_space<vmem>>, vector<128xf32>
    %sub3A_30 = vector.broadcast %div3A_19 : vector<1x128xf32> to vector<10000x128xf32>
    %sub3A_31 = arith.subf %mul3A_16, %sub3A_30 : vector<10000x128xf32>
    %broadcast_in_dim3A_32 = vector.shape_cast %get3A_29 : vector<128xf32> to vector<1x128xf32>
    %mul3A_33 = vector.broadcast %broadcast_in_dim3A_32 : vector<1x128xf32> to vector<10000x128xf32>
    %mul3A_34 = arith.mulf %mul3A_33, %sub3A_31 : vector<10000x128xf32>
    %add3A_35 = arith.constant 9.99999974E-6 : f32
    %add3A_36 = vector.broadcast %add3A_35 : f32 to vector<1x128xf32>
    %add3A_37 = arith.addf %sub3A, %add3A_36 : vector<1x128xf32>
    %rsqrt3A = math.rsqrt %add3A_37 : vector<1x128xf32>
    %mul3A_38 = vector.broadcast %rsqrt3A : vector<1x128xf32> to vector<10000x128xf32>
    %mul3A_39 = arith.mulf %mul3A_34, %mul3A_38 : vector<10000x128xf32>
    %get3A_40 = arith.constant 0 : index
    %get3A_41 = vector.load %arg4[%get3A_40] : memref<128xf32, #tpu.memory_space<vmem>>, vector<128xf32>
    %broadcast_in_dim3A_42 = vector.shape_cast %get3A_41 : vector<128xf32> to vector<1x128xf32>
    %add3A_43 = vector.broadcast %broadcast_in_dim3A_42 : vector<1x128xf32> to vector<10000x128xf32>
    %add3A_44 = arith.addf %mul3A_39, %add3A_43 : vector<10000x128xf32>
    %swap3A = arith.constant 0 : index
    %swap3A_45 = arith.constant 0 : index
    %swap3A_46 = vector.load %arg5[%swap3A, %swap3A_45] : memref<10000x128xf32, #tpu.memory_space<vmem>>, vector<10000x128xf32>
    tpu.vector_store %arg5[%swap3A, %swap3A_45], %add3A_44 {strides = array<i32>} : memref<10000x128xf32, #tpu.memory_space<vmem>>, vector<10000x128xf32>,
    return
  }
}

</mosaic_0001>

<sc_bundles>
// kernel: kernel.11.cloned.1.call-start
scs
__scs_entry_jumppad:
0x0: {  	(pc) =	sbr.rel $0x88, $3  }
0x1: {  	(tag) =	ssettag $0x0;
	lr =	simm.s32 $0x1  }
0x2: {  	[smem:$0x3F97] =	sst lr;
	_ =	strace $0xD0000000  }
0x3: {  	_ = 	snop  }
0x4: {  	_ = 	snop  }
0x5: {  	_ = 	snop  }
0x6: {  	_ = 	snop  }
0x7: {  	_ = 	snop  }
__scs_overlays_trampoline_lowered:
0x8: {  	[smem:$0x3FA6] =	sst s0  }
0x9: {  	[smem:$0x3FA7] =	sst s1  }
0xa: {  	[smem:$0x3FA8] =	sst s2  }
0xb: {  	[smem:$0x3FA9] =	sst s3  }
0xc: {  	[smem:$0x3FAA] =	sst s4  }
0xd: {  	[smem:$0x3FAB] =	sst s5  }
0xe: {  	[smem:$0x3FAC] =	sst s6  }
0xf: {  	[smem:$0x3FAD] =	sst s7  }
0x10: {  	[smem:$0x3FAE] =	sst s8  }
0x11: {  	[smem:$0x3FAF] =	sst s9;
	s0 =	simm.s32 @!p0 $0x0  }
0x12: {  	s1 =	sld [smem:$0x3F95];
	s0 =	simm.s32 @p0 $0x1  }
0x13: {  	[smem:$0x3FB0] =	sst s0;
	s0 =	simm.s32 @!p1 $0x0  }
0x14: {  	s2 =	sld [smem:$0x3F94];
	s0 =	simm.s32 @p1 $0x1  }
0x15: {  	[smem:$0x3FB1] =	sst s0;
	s0 =	simm.s32 @!p2 $0x0  }
0x16: {  	s3 =	sld [smem:$0x3FDB];
	s0 =	simm.s32 @p2 $0x1  }
0x17: {  	s4 =	simm.s32 $0x1BF5;
	[smem:$0x3FB3] =	sst s0  }
0x18: {  	s0 =	sld [smem:$0x3F96];
	_ =	swait.ge [sflag:s4], $0x0  }
0x19: {  	s7 =	sld [smem:$0x3F97]  }
0x1a: {  	s8 =	sadd.s32 $0xFFFFE003, lr  }
0x1b: {  	s9 =	sadd.s32 $0xFFFFFEF7, lr;
	s5 =	simm.s32 $0xFFFFFFFF;
	p2 =	slt.u32 s8, $0xFFFFF086  }
0x1c: {  	p1 =	slt.u32 s9, $0xF7A;
	s5 =	simm.s32 @!p2 $0x0  }
0x1d: {  	s5 =	simm.s32 @p1 $0x1;
	p0 =	seq.s32 s7, s2  }
0x1e: {  	s7 =	smul.u32 @!p0 $0xF7A, s2;
	p2 =	seq.s32 @!p0 s5, $0x0  }
0x1f: {  	s9 =	smul.u32 $0xF7A, s1;
	s8 =	simm.s32 @!p0 $0x1BF5;
	p2 =	por !p2, p0  }
0x20: {  	[sflag:s8] =	ssyncset.s32 @!p0 $0xFFFFF086;
	s6 =	sadd.s32 @!p0 s3, s7;
	s7 =	simm.s32 @!p0 $0x108  }
0x21: {  	s3 =	sadd.s32 s3, s9;
	s6 =	sadd.s32 @!p0 $0x88, s6;
	s7 =	simm.s32 @p2 $0x1082  }
0x22: {  	[simem:s7], [sflag:s8] =	dma.local @!p0 [hbm:s6], $0xF7A  }
0x23: {  	s9 =	sor.u32 $0xD0000000, s2;
	s6 =	simm.s32 $0x108;
	_ =	swait.ge @!p0 [sflag:s8], $0x0  }
0x24: {  	s3 =	sadd.s32 $0x88, s3;
	s6 =	simm.s32 @!p1 $0x1082;
	[sflag:s4] =	ssyncset.s32 $0xFFFFF086  }
0x25: {  	[simem:s6], [sflag:s4] =	dma.local [hbm:s3], $0xF7A  }
0x26: {  	[smem:$0x3F97] =	sst s1;
	(tag) =	ssettag s2;
	_ =	strace s9  }
0x27: {  	s1 =	sld [smem:$0x3FA7]  }
0x28: {  	s2 =	sld [smem:$0x3FA8]  }
0x29: {  	s4 =	sld [smem:$0x3FAA]  }
0x2a: {  	p0 =	seq.s32 s5, $0x0;
	s5 =	sld [smem:$0x3FAB]  }
0x2b: {  	s6 =	sld [smem:$0x3FAC]  }
0x2c: {  	s7 =	sld [smem:$0x3FAD]  }
0x2d: {  	s3 =	simm.s32 $0x108;
	s8 =	sld [smem:$0x3FAE]  }
0x2e: {  	s3 =	simm.s32 @!p0 $0x1082;
	s9 =	sld [smem:$0x3FAF]  }
0x2f: {  	lr =	sadd.s32 s0, s3;
	s0 =	sld [smem:$0x3FA6]  }
0x30: {  	s3 =	sld [smem:$0x3FA9]  }
0x31: {  	[smem:$0x3FB2] =	sst s10  }
0x32: {  	s10 =	sld [smem:$0x3FB0];
	_ =	sdelay $0x3  }
0x33: {  	p0 =	seq.s32 s10, $0x1;
	s10 =	sld [smem:$0x3FB2];
	_ =	sdelay $0x3  }
0x34: {  	[smem:$0x3FB2] =	sst s10  }
0x35: {  	s10 =	sld [smem:$0x3FB1];
	_ =	sdelay $0x3  }
0x36: {  	p1 =	seq.s32 s10, $0x1;
	s10 =	sld [smem:$0x3FB2];
	_ =	sdelay $0x3  }
0x37: {  	[smem:$0x3FB2] =	sst s10  }
0x38: {  	s10 =	sld [smem:$0x3FB3]  }
0x39: {  	_ = 	snop;
	(pc) =	sbr.ind lr, $3  }
0x3a: {  	_ = 	snop  }
0x3b: {  	_ = 	snop  }
0x3c: {  	p2 =	seq.s32 s10, $0x1;
	s10 =	sld [smem:$0x3FB2]  }
0x3d: {  	_ =	shalt  }
0x3e: {  	_ =	shalt  }
0x3f: {  	_ =	shalt  }
0x40: {  	_ =	shalt  }
0x41: {  	_ =	shalt  }
0x42: {  	_ =	shalt  }
0x43: {  	_ =	shalt  }
0x44: {  	_ =	shalt  }
0x45: {  	_ =	shalt  }
0x46: {  	_ =	shalt  }
0x47: {  	_ =	shalt  }
0x48: {  	_ =	shalt  }
0x49: {  	_ =	shalt  }
0x4a: {  	_ =	shalt  }
0x4b: {  	_ =	shalt  }
0x4c: {  	_ =	shalt  }
0x4d: {  	_ =	shalt  }
0x4e: {  	_ =	shalt  }
0x4f: {  	_ =	shalt  }
0x50: {  	_ =	shalt  }
0x51: {  	_ =	shalt  }
0x52: {  	_ =	shalt  }
0x53: {  	_ =	shalt  }
0x54: {  	_ =	shalt  }
0x55: {  	_ =	shalt  }
0x56: {  	_ =	shalt  }
0x57: {  	_ =	shalt  }
0x58: {  	_ =	shalt  }
0x59: {  	_ =	shalt  }
0x5a: {  	_ =	shalt  }
0x5b: {  	_ =	shalt  }
0x5c: {  	_ =	shalt  }
0x5d: {  	_ =	shalt  }
0x5e: {  	_ =	shalt  }
0x5f: {  	_ =	shalt  }
0x60: {  	_ =	shalt  }
0x61: {  	_ =	shalt  }
0x62: {  	_ =	shalt  }
0x63: {  	_ =	shalt  }
0x64: {  	_ =	shalt  }
0x65: {  	_ =	shalt  }
0x66: {  	_ =	shalt  }
0x67: {  	_ =	shalt  }
0x68: {  	_ =	shalt  }
0x69: {  	_ =	shalt  }
0x6a: {  	_ =	shalt  }
0x6b: {  	_ =	shalt  }
0x6c: {  	_ =	shalt  }
0x6d: {  	_ =	shalt  }
0x6e: {  	_ =	shalt  }
0x6f: {  	_ =	shalt  }
0x70: {  	_ =	shalt  }
0x71: {  	_ =	shalt  }
0x72: {  	_ =	shalt  }
0x73: {  	_ =	shalt  }
0x74: {  	_ =	shalt  }
0x75: {  	_ =	shalt  }
0x76: {  	_ =	shalt  }
0x77: {  	_ =	shalt  }
0x78: {  	_ =	shalt  }
0x79: {  	_ =	shalt  }
0x7a: {  	_ =	shalt  }
0x7b: {  	_ =	shalt  }
0x7c: {  	_ =	shalt  }
0x7d: {  	_ =	shalt  }
0x7e: {  	_ =	shalt  }
0x7f: {  	_ =	shalt  }
0x80: {  	_ =	shalt  }
0x81: {  	_ =	shalt  }
0x82: {  	_ =	shalt  }
0x83: {  	_ =	shalt  }
0x84: {  	_ =	shalt  }
0x85: {  	_ =	shalt  }
0x86: {  	_ =	shalt  }
0x87: {  	_ =	shalt  }
.Lfunc_end0:
.L_simem_size_0:
called_computation.1_lowered:
.L_overlay_start_0:
0x88: {  	s2 =	sld [smem:$0x3FD9]  }
0x89: {  	s3 =	sld [smem:$0x3FFE];
	_ =	sdelay $0x1  }
0x8a: {  	s1 =	srdreg.scid  }
0x8b: {  	s0 =	sand.u32 $0x1, s1  }
0x8c: {  	s17 =	sshll.u32 s0, $0xA;
	s2 =	sadd.s32 s3, s2  }
0x8d: {  	s2 =	sadd.s32 s2, s17  }
0x8e: {  	[smem:$0x3FBE] =	sst s2  }
0x8f: {  	_ = 	snop  }
0x90: {  	s2 =	sld [smem:$0x3FD0];
	(tm) =	ssettm $0x1  }
0x91: {  	s18 =	sld [smem:$0x3FFB];
	_ =	sdelay $0x3  }
0x92: {  	_ =	strace s18  }
0x93: {  	s3 =	sld [smem:$0x3FFC];
	_ =	sdelay $0x3  }
0x94: {  	_ =	strace s3  }
0x95: {  	s3 =	sld [smem:$0x3FFD];
	_ =	sdelay $0x3  }
0x96: {  	_ =	strace s3  }
0x97: {  	_ =	strace $0x8FFFFFFF  }
0x98: {  	s19 =	sld [smem:$0x3FDB];
	_ =	sdelay $0x1  }
0x99: {  	s4 =	simm.s32 $_scs_section_size  }
0x9a: {  	s5 =	simm.s32 $_size__tile_overlayer_lowered;
	s6 =	simm.s32 $_tile_overlayer_lowered  }
0x9b: {  	s22 =	simm.s32 $0x1BFF;
	s21 =	sshll.u32 s6, $0x1;
	s3 =	sadd.s32 s4, s19  }
0x9c: {  	s7 =	simm.s32 $0x0;
	s20 =	sshll.u32 s5, $0x1;
	s5 =	sadd.s32 s21, s3  }
0x9d: {  	[timem:s7], [sflag:s22] =	dma.local [hbm:s5], s20  }
0x9e: {  	_ =	swait.ge [sflag:s22], s20  }
0x9f: {  	s4 =	ssub.s32 $0x0, s20;
	[sflag:s22] =	ssyncset.done $0x0  }
0xa0: {  	[sflag:s22] =	ssyncadd.s32 s4;
	_ =	sdelay $0x1  }
0xa1: {  	s23 =	simm.s32 $0x1B8B  }
0xa2: {  	_ =	swait.ge [sflag:s23], $0x1  }
0xa3: {  	[sflag:s23] =	ssyncset.done $0x0  }
0xa4: {  	s25 =	simm.s32 $0x1B8E;
	s24 =	sld [smem:$0x3FFE];
	[sflag:s23] =	ssyncadd.s32 $0xFFFFFFFF  }
0xa5: {  	s26 =	simm.s32 $execute0_lowered;
	[smem:$0x3FD2] =	sst s25  }
0xa6: {  	s5 =	sshll.u32 s26, $0x1;
	_ =	strace $0x80000049;
	[dreg:$0x1] =	wrdreg $0xFFFFFFFF  }
0xa7: {  	s28 =	simm.s32 $_size_execute0_lowered;
	s3 =	sadd.s32 s3, s5;
	[dreg:$0x0] =	wrdreg $0x0  }
0xa8: {  	s5 =	sshll.u32 s28, $0x1;
	[dreg:$0x2] =	wrdreg s3  }
0xa9: {  	[dreg:$0x3] =	wrdreg s5  }
0xaa: {  	[dreg:$0x4] =	wrdreg $0xC0  }
0xab: {  	_ =	task [dreg:s7], $0x5FFFF  }
0xac: {  	[dreg:$0x1] =	wrdreg $0xFFFFFFFF  }
0xad: {  	[dreg:$0x0] =	wrdreg $0x60  }
0xae: {  	[dreg:$0x2] =	wrdreg s24  }
0xaf: {  	[dreg:$0x3] =	wrdreg s2  }
0xb0: {  	[dreg:$0x4] =	wrdreg $0x90000  }
0xb1: {  	[dreg:$0x5] =	wrdreg $0x9  }
0xb2: {  	_ =	task.clear_ibuf [dreg:s7], $0x6FFFF;
	_ =	strace $0x90000049  }
0xb3: {  	s29 =	simm.s32 $0x9;
	_ =	strace $0x8000004B  }
0xb4: {  	_ =	swait.ge [sflag:s29], $0x1  }
0xb5: {  	[sflag:s29] =	ssyncadd.s32 $0xFFFFFFFF  }
0xb6: {  	_ =	strace $0x9000004B  }
0xb7: {  	_ =	sfence  }
0xb8: {  	s30 =	sld [smem:$0x0];
	_ =	sdelay $0x2  }
0xb9: {  	s31 =	sshll.u32 s1, $0xD;
	s1 =	sshrl.u32 s1, $0x2  }
0xba: {  	s3 =	sand.u32 $0x4000, s31;
	s1 =	sadd.s32 s1, s30  }
0xbb: {  	s0 =	sor.u32 s3, s0;
	s1 =	sshll.u32 s1, $0x11  }
0xbc: {  	s0 =	sor.u32 s1, s0  }
0xbd: {  	s0 =	sadd.s32 $0x8F2B, s0  }
0xbe: {  	[sflag:s0] =	ssyncadd.remote.s32 $0x1  }
0xbf: {  	_ =	sfence.sel $0xFFFF  }
0xc0: {  	[dreg:$0x0] =	wrdreg $0xFFFFFFFF;
	(pc) =	sbr.abs _section_cstart, $3  }
0xc1: {  	[dreg:$0x1] =	wrdreg $0xFFFFFFFF  }
0xc2: {  	_ =	task.clear_ibuf [dreg:s7], $0x2FFFF;
	_ =	strace $0x9FFFFFFF  }
0xc3: {  	(tm) =	ssettm $0x7FFFFFFF  }
tec
execute0_lowered:
.L_overlay_start_1:
0x0: {  	(tag) =	ssettag $0x1  }
0x1: {  	s7 =	rddreg [dreg:$0x0]  }
0x2: {  	s0 =	srdreg.scid;
	s2 =	rddreg [dreg:$0x1]  }
0x3: {  	s3 =	rddreg [dreg:$0x2];
	s4 =	simm.s32 $0x0;
	s14 =	simm.s32 $0x80  }
0x4: {  	s15 =	simm.s32 $0x5000;
	s16 =	simm.s32 $0x1;
	s6 =	sand.u32 $0x1, s0  }
0x5: {  	s17 =	simm.s32 $0x0;
	s0 =	stileid.u32;
	s8 =	smul.u32 $0x140000, s6  }
0x6: {  	[smem:$0x7FF] =	sst s4;
	s1 =	sshll.u32 s6, $0x4;
	s9 =	smul.u32 $0x14000, s0  }
0x7: {  	s28 =	smul.u32 $0x50000, s0;
	s6 =	ssub.s32 $0x2, s6;
	s1 =	sor.u32 s0, s1  }
0x8: {  	s31 =	sshll.u32 s0, $0x6;
	s29 =	sshrl.u32 s6, $0x1;
	s5 =	smul.u32 $0x500, s1  }
0x9: {  	s1 =	rddreg [dreg:$0x3];
	_ =	strace $0x8000004A;
	s8 =	sadd.s32 s9, s8  }
0xa: {  	s30 =	sshrl.u32 s28, $0x2;
	s12 =	ssub.s32 s6, s29;
	s6 =	sor.u32 $0x1C02, s31  }
0xb: {  	s8 =	sshrl.u32 s8, $0x3;
	s13 =	sadd.s32 s30, s3;
	s10 =	sadd.s32 s5, s7  }
0xc: {  	s5 =	sadd.s32 $0x17000, s7;
	s11 =	sadd.s32 s8, s7;
	s7 =	sadd.s32 $0xD000, s10  }
0xd: {  	s8 =	sadd.s32 $0x2E00, s10;
	s9 =	sadd.s32 $0x19800, s11;
	s10 =	smax.u32 s12, $0x1  }
0xe: {  	s11 =	sshrl.u32 s13, $0x3;
	s12 =	simm.s32 $0x2;
	s13 =	simm.s32 $0x2800  }
.LBB2_1:
0xf: {  	[spmem:s11], [sflag:s6] =	dma.local [hbm:s5], $0x2800  }
0x10: {  	_ =	swait.ge [sflag:s12], $0x2800  }
0x11: {  	[sflag:s12] =	ssyncset.done $0x0  }
0x12: {  	[sflag:s12] =	ssyncadd.s32 $0xFFFFD800  }
0x13: {  	[tilespmem:s4], [sflag:$0x2] =	stream.linear.gather [hbm4b:s7+s4], $0x2780, $0x38;
	[tilespmem:$0x1D000] =	vst v63  }
0x14: {  	_ =	swait.ge [sflag:s12], $0x2780  }
0x15: {  	[sflag:s12] =	ssyncset.done $0x0  }
0x16: {  	[sflag:s12] =	ssyncadd.s32 $0xFFFFD880  }
0x17: {  	[tilespmem:s13], [sflag:$0x2] =	stream.linear.gather [hbm4b:s8+s4], $0x2780, $0x38;
	[tilespmem:$0x1D000] =	vst v63  }
0x18: {  	_ =	swait.ge [sflag:s12], $0x2780  }
0x19: {  	[sflag:s12] =	ssyncset.done $0x0  }
0x1a: {  	[sflag:s12] =	ssyncadd.s32 $0xFFFFD880  }
0x1b: {  	s18 =	simm.s32 $0x0;
	[bflag:$0x0] =	sbarrier.arrive $0xFFFF  }
0x1c: {  	[tilespmem:s15], [sflag:$0x1] =	stream.indirect.gather [hbm4b:s2+s14], $0x80, s18, s14, $0xb8;
	[tilespmem:$0x1D000] =	vst v63  }
0x1d: {  	_ =	swait.ge [sflag:s16], $0x4000  }
0x1e: {  	[sflag:s16] =	ssyncset.done $0x0  }
0x1f: {  	s31 =	simm.s32 $0x2800;
	[sflag:s16] =	ssyncadd.s32 $0xFFFFC000  }
0x20: {  	[spmem:s3] =	stream.indirect.scatter.add.f32 [tilespmem:s15], [sflag:$0x2], $0x80, s31, s14, $0xb8;
	[tilespmem:$0x1D000] =	vst v63  }
0x21: {  	_ =	swait.ge [sflag:s12], $0x4000  }
0x22: {  	s19 =	simm.s32 $0x400;
	s18 =	simm.s32 $0x200;
	[sflag:s12] =	ssyncset.done $0x0  }
.LBB2_2:
0x23: {  	s20 =	sshra.s32 s18, $0x2  }
0x24: {  	[sflag:s12] =	ssyncadd.s32 $0xFFFFC000;
	s18 =	smov.u32 s19;
	s21 =	sadd.s32 $0x200, s19  }
0x25: {  	[tilespmem:s15], [sflag:$0x1] =	stream.indirect.gather [hbm4b:s2+s14], $0x80, s20, s14, $0xb8;
	[tilespmem:$0x1D000] =	vst v63  }
0x26: {  	p0 =	sne.s32 s19, $0x9C00;
	_ =	swait.ge [sflag:s16], $0x4000  }
.Ltmp0:
0x27: {  	[sflag:s16] =	ssyncset.done $0x0;
	(pc) =	sbr.rel @p0 .LBB2_2-.Ltmp0, $4  }
0x28: {  	s19 =	sadd.s32 $0x2800, s20;
	[sflag:s16] =	ssyncadd.s32 $0xFFFFC000  }
0x29: {  	[spmem:s3] =	stream.indirect.scatter.add.f32 [tilespmem:s15], [sflag:$0x2], $0x80, s19, s14, $0xb8;
	[tilespmem:$0x1D000] =	vst v63  }
0x2a: {  	_ =	swait.ge [sflag:s12], $0x4000  }
0x2b: {  	s19 =	smov.u32 s21;
	[sflag:s12] =	ssyncset.done $0x0  }
0x2c: {  	s18 =	sshra.s32 s18, $0x2;
	[sflag:s12] =	ssyncadd.s32 $0xFFFFC000  }
0x2d: {  	[tilespmem:s15], [sflag:$0x1] =	stream.indirect.gather [hbm4b:s2+s14], $0x80, s18, s14, $0xb8;
	[tilespmem:$0x1D000] =	vst v63  }
0x2e: {  	_ =	swait.ge [sflag:s16], $0x4000  }
0x2f: {  	[sflag:s16] =	ssyncset.done $0x0  }
0x30: {  	s18 =	sadd.s32 $0x2800, s18;
	[sflag:s16] =	ssyncadd.s32 $0xFFFFC000  }
0x31: {  	[spmem:s3] =	stream.indirect.scatter.add.f32 [tilespmem:s15], [sflag:$0x2], $0x80, s18, s14, $0xb8;
	[tilespmem:$0x1D000] =	vst v63  }
0x32: {  	_ =	swait.ge [sflag:s12], $0x4000  }
0x33: {  	s17 =	sadd.s32 $0x1, s17;
	[sflag:s12] =	ssyncset.done $0x0  }
0x34: {  	p0 =	sne.s32 s17, s10;
	[sflag:s12] =	ssyncadd.s32 $0xFFFFC000  }
.Ltmp1:
0x35: {  	[bflag:$0x0] =	sbarrier.arrive $0xFFFF;
	(pc) =	sbr.rel @p0 .LBB2_1-.Ltmp1, $4  }
0x36: {  	[hbm:s9], [sflag:s6] =	dma.local [spmem:s11], $0x2800  }
0x37: {  	_ =	swait.ge [sflag:s12], $0x2800  }
0x38: {  	[sflag:s12] =	ssyncset.done $0x0  }
0x39: {  	[sflag:s12] =	ssyncadd.s32 $0xFFFFD800  }
0x3a: {  	_ =	sfence.sel $0x180000  }
0x3b: {  	[bflag:$0x0] =	sbarrier.arrive $0xFFFF  }
0x3c: {  	p0 =	sne.s32 s0, $0x0;
	_ =	strace $0x9000004A  }
0x3d: {  	s0 =	sadd.s32 @!p0 $0x100000, s1;
	[bflag:$0x2] =	sbarrier.arrive $0xFFFF  }
0x3e: {  	[sflag:s0] =	ssyncadd.tile.s32 @!p0 $0x1;
	_ =	shalt  }
.Lfunc_end2:
_tile_overlayer_lowered:
.L_overlay_start_2:
0x3f: {  	(tag) =	ssettag $0x2  }
0x40: {  	s0 =	rddreg [dreg:$0x0];
	s2 =	stileid.u32  }
0x41: {  	s1 =	rddreg [dreg:$0x1];
	p0 =	sne.s32 s2, $0x0  }
0x42: {  	s3 =	rddreg [dreg:$0x2];
	[bflag:$0x3] =	sbarrier.arrive $0xFFFF;
	s2 =	simm.s32 @!p0 $0x1C02  }
0x43: {  	[timem:s3], [sflag:s2] =	dma.local @!p0 [hbm:s0], s1  }
0x44: {  	s0 =	simm.s32 @!p0 $0x2  }
0x45: {  	_ =	swait.ge @!p0 [sflag:s0], s1  }
0x46: {  	s1 =	ssub.s32 @!p0 $0x0, s1;
	[sflag:s0] =	ssyncset.done @!p0 $0x0  }
0x47: {  	[sflag:s0] =	ssyncadd.s32 @!p0 s1  }
0x48: {  	[bflag:$0x3] =	sbarrier.arrive $0xFFFF  }
0x49: {  	_ =	shalt  }

// kernel: kernel.14.cloned.1.call-start
scs
__scs_entry_jumppad:
0x0: {  	(pc) =	sbr.rel $0x88, $3  }
0x1: {  	(tag) =	ssettag $0x0;
	lr =	simm.s32 $0x1  }
0x2: {  	[smem:$0x3F97] =	sst lr;
	_ =	strace $0xD0000000  }
0x3: {  	_ = 	snop  }
0x4: {  	_ = 	snop  }
0x5: {  	_ = 	snop  }
0x6: {  	_ = 	snop  }
0x7: {  	_ = 	snop  }
__scs_overlays_trampoline_lowered:
0x8: {  	[smem:$0x3FA6] =	sst s0  }
0x9: {  	[smem:$0x3FA7] =	sst s1  }
0xa: {  	[smem:$0x3FA8] =	sst s2  }
0xb: {  	[smem:$0x3FA9] =	sst s3  }
0xc: {  	[smem:$0x3FAA] =	sst s4  }
0xd: {  	[smem:$0x3FAB] =	sst s5  }
0xe: {  	[smem:$0x3FAC] =	sst s6  }
0xf: {  	[smem:$0x3FAD] =	sst s7  }
0x10: {  	[smem:$0x3FAE] =	sst s8  }
0x11: {  	[smem:$0x3FAF] =	sst s9;
	s0 =	simm.s32 @!p0 $0x0  }
0x12: {  	s1 =	sld [smem:$0x3F95];
	s0 =	simm.s32 @p0 $0x1  }
0x13: {  	[smem:$0x3FB0] =	sst s0;
	s0 =	simm.s32 @!p1 $0x0  }
0x14: {  	s2 =	sld [smem:$0x3F94];
	s0 =	simm.s32 @p1 $0x1  }
0x15: {  	[smem:$0x3FB1] =	sst s0;
	s0 =	simm.s32 @!p2 $0x0  }
0x16: {  	s3 =	sld [smem:$0x3FDB];
	s0 =	simm.s32 @p2 $0x1  }
0x17: {  	s4 =	simm.s32 $0x1BF5;
	[smem:$0x3FB3] =	sst s0  }
0x18: {  	s0 =	sld [smem:$0x3F96];
	_ =	swait.ge [sflag:s4], $0x0  }
0x19: {  	s7 =	sld [smem:$0x3F97]  }
0x1a: {  	s8 =	sadd.s32 $0xFFFFE003, lr  }
0x1b: {  	s9 =	sadd.s32 $0xFFFFFEF7, lr;
	s5 =	simm.s32 $0xFFFFFFFF;
	p2 =	slt.u32 s8, $0xFFFFF086  }
0x1c: {  	p1 =	slt.u32 s9, $0xF7A;
	s5 =	simm.s32 @!p2 $0x0  }
0x1d: {  	s5 =	simm.s32 @p1 $0x1;
	p0 =	seq.s32 s7, s2  }
0x1e: {  	s7 =	smul.u32 @!p0 $0xF7A, s2;
	p2 =	seq.s32 @!p0 s5, $0x0  }
0x1f: {  	s9 =	smul.u32 $0xF7A, s1;
	s8 =	simm.s32 @!p0 $0x1BF5;
	p2 =	por !p2, p0  }
0x20: {  	[sflag:s8] =	ssyncset.s32 @!p0 $0xFFFFF086;
	s6 =	sadd.s32 @!p0 s3, s7;
	s7 =	simm.s32 @!p0 $0x108  }
0x21: {  	s3 =	sadd.s32 s3, s9;
	s6 =	sadd.s32 @!p0 $0x88, s6;
	s7 =	simm.s32 @p2 $0x1082  }
0x22: {  	[simem:s7], [sflag:s8] =	dma.local @!p0 [hbm:s6], $0xF7A  }
0x23: {  	s9 =	sor.u32 $0xD0000000, s2;
	s6 =	simm.s32 $0x108;
	_ =	swait.ge @!p0 [sflag:s8], $0x0  }
0x24: {  	s3 =	sadd.s32 $0x88, s3;
	s6 =	simm.s32 @!p1 $0x1082;
	[sflag:s4] =	ssyncset.s32 $0xFFFFF086  }
0x25: {  	[simem:s6], [sflag:s4] =	dma.local [hbm:s3], $0xF7A  }
0x26: {  	[smem:$0x3F97] =	sst s1;
	(tag) =	ssettag s2;
	_ =	strace s9  }
0x27: {  	s1 =	sld [smem:$0x3FA7]  }
0x28: {  	s2 =	sld [smem:$0x3FA8]  }
0x29: {  	s4 =	sld [smem:$0x3FAA]  }
0x2a: {  	p0 =	seq.s32 s5, $0x0;
	s5 =	sld [smem:$0x3FAB]  }
0x2b: {  	s6 =	sld [smem:$0x3FAC]  }
0x2c: {  	s7 =	sld [smem:$0x3FAD]  }
0x2d: {  	s3 =	simm.s32 $0x108;
	s8 =	sld [smem:$0x3FAE]  }
0x2e: {  	s3 =	simm.s32 @!p0 $0x1082;
	s9 =	sld [smem:$0x3FAF]  }
0x2f: {  	lr =	sadd.s32 s0, s3;
	s0 =	sld [smem:$0x3FA6]  }
0x30: {  	s3 =	sld [smem:$0x3FA9]  }
0x31: {  	[smem:$0x3FB2] =	sst s10  }
0x32: {  	s10 =	sld [smem:$0x3FB0];
	_ =	sdelay $0x3  }
0x33: {  	p0 =	seq.s32 s10, $0x1;
	s10 =	sld [smem:$0x3FB2];
	_ =	sdelay $0x3  }
0x34: {  	[smem:$0x3FB2] =	sst s10  }
0x35: {  	s10 =	sld [smem:$0x3FB1];
	_ =	sdelay $0x3  }
0x36: {  	p1 =	seq.s32 s10, $0x1;
	s10 =	sld [smem:$0x3FB2];
	_ =	sdelay $0x3  }
0x37: {  	[smem:$0x3FB2] =	sst s10  }
0x38: {  	s10 =	sld [smem:$0x3FB3]  }
0x39: {  	_ = 	snop;
	(pc) =	sbr.ind lr, $3  }
0x3a: {  	_ = 	snop  }
0x3b: {  	_ = 	snop  }
0x3c: {  	p2 =	seq.s32 s10, $0x1;
	s10 =	sld [smem:$0x3FB2]  }
0x3d: {  	_ =	shalt  }
0x3e: {  	_ =	shalt  }
0x3f: {  	_ =	shalt  }
0x40: {  	_ =	shalt  }
0x41: {  	_ =	shalt  }
0x42: {  	_ =	shalt  }
0x43: {  	_ =	shalt  }
0x44: {  	_ =	shalt  }
0x45: {  	_ =	shalt  }
0x46: {  	_ =	shalt  }
0x47: {  	_ =	shalt  }
0x48: {  	_ =	shalt  }
0x49: {  	_ =	shalt  }
0x4a: {  	_ =	shalt  }
0x4b: {  	_ =	shalt  }
0x4c: {  	_ =	shalt  }
0x4d: {  	_ =	shalt  }
0x4e: {  	_ =	shalt  }
0x4f: {  	_ =	shalt  }
0x50: {  	_ =	shalt  }
0x51: {  	_ =	shalt  }
0x52: {  	_ =	shalt  }
0x53: {  	_ =	shalt  }
0x54: {  	_ =	shalt  }
0x55: {  	_ =	shalt  }
0x56: {  	_ =	shalt  }
0x57: {  	_ =	shalt  }
0x58: {  	_ =	shalt  }
0x59: {  	_ =	shalt  }
0x5a: {  	_ =	shalt  }
0x5b: {  	_ =	shalt  }
0x5c: {  	_ =	shalt  }
0x5d: {  	_ =	shalt  }
0x5e: {  	_ =	shalt  }
0x5f: {  	_ =	shalt  }
0x60: {  	_ =	shalt  }
0x61: {  	_ =	shalt  }
0x62: {  	_ =	shalt  }
0x63: {  	_ =	shalt  }
0x64: {  	_ =	shalt  }
0x65: {  	_ =	shalt  }
0x66: {  	_ =	shalt  }
0x67: {  	_ =	shalt  }
0x68: {  	_ =	shalt  }
0x69: {  	_ =	shalt  }
0x6a: {  	_ =	shalt  }
0x6b: {  	_ =	shalt  }
0x6c: {  	_ =	shalt  }
0x6d: {  	_ =	shalt  }
0x6e: {  	_ =	shalt  }
0x6f: {  	_ =	shalt  }
0x70: {  	_ =	shalt  }
0x71: {  	_ =	shalt  }
0x72: {  	_ =	shalt  }
0x73: {  	_ =	shalt  }
0x74: {  	_ =	shalt  }
0x75: {  	_ =	shalt  }
0x76: {  	_ =	shalt  }
0x77: {  	_ =	shalt  }
0x78: {  	_ =	shalt  }
0x79: {  	_ =	shalt  }
0x7a: {  	_ =	shalt  }
0x7b: {  	_ =	shalt  }
0x7c: {  	_ =	shalt  }
0x7d: {  	_ =	shalt  }
0x7e: {  	_ =	shalt  }
0x7f: {  	_ =	shalt  }
0x80: {  	_ =	shalt  }
0x81: {  	_ =	shalt  }
0x82: {  	_ =	shalt  }
0x83: {  	_ =	shalt  }
0x84: {  	_ =	shalt  }
0x85: {  	_ =	shalt  }
0x86: {  	_ =	shalt  }
0x87: {  	_ =	shalt  }
.Lfunc_end0:
.L_simem_size_0:
called_computation.2_lowered:
.L_overlay_start_0:
0x88: {  	s2 =	sld [smem:$0x3FD9]  }
0x89: {  	s3 =	sld [smem:$0x3FFE];
	_ =	sdelay $0x1  }
0x8a: {  	s1 =	srdreg.scid  }
0x8b: {  	s0 =	sand.u32 $0x1, s1  }
0x8c: {  	s17 =	sshll.u32 s0, $0xA;
	s2 =	sadd.s32 s3, s2  }
0x8d: {  	s2 =	sadd.s32 s2, s17  }
0x8e: {  	[smem:$0x3FBE] =	sst s2  }
0x8f: {  	_ = 	snop  }
0x90: {  	s2 =	sld [smem:$0x3FD0];
	(tm) =	ssettm $0x1  }
0x91: {  	s18 =	sld [smem:$0x3FFB];
	_ =	sdelay $0x3  }
0x92: {  	_ =	strace s18  }
0x93: {  	s3 =	sld [smem:$0x3FFC];
	_ =	sdelay $0x3  }
0x94: {  	_ =	strace s3  }
0x95: {  	s3 =	sld [smem:$0x3FFD];
	_ =	sdelay $0x3  }
0x96: {  	_ =	strace s3  }
0x97: {  	_ =	strace $0x8FFFFFFF  }
0x98: {  	s19 =	sld [smem:$0x3FDB];
	_ =	sdelay $0x1  }
0x99: {  	s4 =	simm.s32 $_scs_section_size  }
0x9a: {  	s5 =	simm.s32 $_size__tile_overlayer_lowered;
	s6 =	simm.s32 $_tile_overlayer_lowered  }
0x9b: {  	s22 =	simm.s32 $0x1BFF;
	s21 =	sshll.u32 s6, $0x1;
	s3 =	sadd.s32 s4, s19  }
0x9c: {  	s7 =	simm.s32 $0x0;
	s20 =	sshll.u32 s5, $0x1;
	s5 =	sadd.s32 s21, s3  }
0x9d: {  	[timem:s7], [sflag:s22] =	dma.local [hbm:s5], s20  }
0x9e: {  	_ =	swait.ge [sflag:s22], s20  }
0x9f: {  	s4 =	ssub.s32 $0x0, s20;
	[sflag:s22] =	ssyncset.done $0x0  }
0xa0: {  	[sflag:s22] =	ssyncadd.s32 s4;
	_ =	sdelay $0x1  }
0xa1: {  	s23 =	simm.s32 $0x1B8B  }
0xa2: {  	_ =	swait.ge [sflag:s23], $0x1  }
0xa3: {  	[sflag:s23] =	ssyncset.done $0x0  }
0xa4: {  	s25 =	simm.s32 $0x1B8E;
	s24 =	sld [smem:$0x3FFE];
	[sflag:s23] =	ssyncadd.s32 $0xFFFFFFFF  }
0xa5: {  	s26 =	simm.s32 $execute0_lowered;
	[smem:$0x3FD2] =	sst s25  }
0xa6: {  	s5 =	sshll.u32 s26, $0x1;
	_ =	strace $0x8000004C;
	[dreg:$0x1] =	wrdreg $0xFFFFFFFF  }
0xa7: {  	s28 =	simm.s32 $_size_execute0_lowered;
	s3 =	sadd.s32 s3, s5;
	[dreg:$0x0] =	wrdreg $0x0  }
0xa8: {  	s5 =	sshll.u32 s28, $0x1;
	[dreg:$0x2] =	wrdreg s3  }
0xa9: {  	[dreg:$0x3] =	wrdreg s5  }
0xaa: {  	[dreg:$0x4] =	wrdreg $0xC0  }
0xab: {  	_ =	task [dreg:s7], $0x5FFFF  }
0xac: {  	[dreg:$0x1] =	wrdreg $0xFFFFFFFF  }
0xad: {  	[dreg:$0x0] =	wrdreg $0x60  }
0xae: {  	[dreg:$0x2] =	wrdreg s24  }
0xaf: {  	[dreg:$0x3] =	wrdreg s2  }
0xb0: {  	[dreg:$0x4] =	wrdreg $0x90000  }
0xb1: {  	[dreg:$0x5] =	wrdreg $0x9  }
0xb2: {  	_ =	task.clear_ibuf [dreg:s7], $0x6FFFF;
	_ =	strace $0x9000004C  }
0xb3: {  	s29 =	simm.s32 $0x9;
	_ =	strace $0x8000004E  }
0xb4: {  	_ =	swait.ge [sflag:s29], $0x1  }
0xb5: {  	[sflag:s29] =	ssyncadd.s32 $0xFFFFFFFF  }
0xb6: {  	_ =	strace $0x9000004E  }
0xb7: {  	_ =	sfence  }
0xb8: {  	s30 =	sld [smem:$0x0];
	_ =	sdelay $0x2  }
0xb9: {  	s31 =	sshll.u32 s1, $0xD;
	s1 =	sshrl.u32 s1, $0x2  }
0xba: {  	s3 =	sand.u32 $0x4000, s31;
	s1 =	sadd.s32 s1, s30  }
0xbb: {  	s0 =	sor.u32 s3, s0;
	s1 =	sshll.u32 s1, $0x11  }
0xbc: {  	s0 =	sor.u32 s1, s0  }
0xbd: {  	s0 =	sadd.s32 $0x8F2B, s0  }
0xbe: {  	[sflag:s0] =	ssyncadd.remote.s32 $0x1  }
0xbf: {  	_ =	sfence.sel $0xFFFF  }
0xc0: {  	[dreg:$0x0] =	wrdreg $0xFFFFFFFF;
	(pc) =	sbr.abs _section_cstart, $3  }
0xc1: {  	[dreg:$0x1] =	wrdreg $0xFFFFFFFF  }
0xc2: {  	_ =	task.clear_ibuf [dreg:s7], $0x2FFFF;
	_ =	strace $0x9FFFFFFF  }
0xc3: {  	(tm) =	ssettm $0x7FFFFFFF  }
tec
execute0_lowered:
.L_overlay_start_1:
0x0: {  	(tag) =	ssettag $0x1  }
0x1: {  	s7 =	rddreg [dreg:$0x0]  }
0x2: {  	s0 =	srdreg.scid;
	s2 =	rddreg [dreg:$0x1]  }
0x3: {  	s3 =	rddreg [dreg:$0x2];
	s4 =	simm.s32 $0x0;
	s14 =	simm.s32 $0x80  }
0x4: {  	s15 =	simm.s32 $0x5000;
	s16 =	simm.s32 $0x1;
	s6 =	sand.u32 $0x1, s0  }
0x5: {  	s17 =	simm.s32 $0x0;
	s0 =	stileid.u32;
	s8 =	smul.u32 $0x140000, s6  }
0x6: {  	[smem:$0x7FF] =	sst s4;
	s1 =	sshll.u32 s6, $0x4;
	s9 =	smul.u32 $0x14000, s0  }
0x7: {  	s28 =	smul.u32 $0x50000, s0;
	s6 =	ssub.s32 $0x2, s6;
	s1 =	sor.u32 s0, s1  }
0x8: {  	s31 =	sshll.u32 s0, $0x6;
	s29 =	sshrl.u32 s6, $0x1;
	s5 =	smul.u32 $0x500, s1  }
0x9: {  	s1 =	rddreg [dreg:$0x3];
	_ =	strace $0x8000004D;
	s8 =	sadd.s32 s9, s8  }
0xa: {  	s30 =	sshrl.u32 s28, $0x2;
	s12 =	ssub.s32 s6, s29;
	s6 =	sor.u32 $0x1C02, s31  }
0xb: {  	s8 =	sshrl.u32 s8, $0x3;
	s13 =	sadd.s32 s30, s3;
	s10 =	sadd.s32 s5, s7  }
0xc: {  	s5 =	sadd.s32 $0x17000, s7;
	s11 =	sadd.s32 s8, s7;
	s7 =	sadd.s32 $0xD000, s10  }
0xd: {  	s8 =	sadd.s32 $0x2E00, s10;
	s9 =	sadd.s32 $0x19800, s11;
	s10 =	smax.u32 s12, $0x1  }
0xe: {  	s11 =	sshrl.u32 s13, $0x3;
	s12 =	simm.s32 $0x2;
	s13 =	simm.s32 $0x2800  }
.LBB2_1:
0xf: {  	[spmem:s11], [sflag:s6] =	dma.local [hbm:s5], $0x2800  }
0x10: {  	_ =	swait.ge [sflag:s12], $0x2800  }
0x11: {  	[sflag:s12] =	ssyncset.done $0x0  }
0x12: {  	[sflag:s12] =	ssyncadd.s32 $0xFFFFD800  }
0x13: {  	[tilespmem:s4], [sflag:$0x2] =	stream.linear.gather [hbm4b:s7+s4], $0x2780, $0x38;
	[tilespmem:$0x1D000] =	vst v63  }
0x14: {  	_ =	swait.ge [sflag:s12], $0x2780  }
0x15: {  	[sflag:s12] =	ssyncset.done $0x0  }
0x16: {  	[sflag:s12] =	ssyncadd.s32 $0xFFFFD880  }
0x17: {  	[tilespmem:s13], [sflag:$0x2] =	stream.linear.gather [hbm4b:s8+s4], $0x2780, $0x38;
	[tilespmem:$0x1D000] =	vst v63  }
0x18: {  	_ =	swait.ge [sflag:s12], $0x2780  }
0x19: {  	[sflag:s12] =	ssyncset.done $0x0  }
0x1a: {  	[sflag:s12] =	ssyncadd.s32 $0xFFFFD880  }
0x1b: {  	s18 =	simm.s32 $0x0;
	[bflag:$0x0] =	sbarrier.arrive $0xFFFF  }
0x1c: {  	[tilespmem:s15], [sflag:$0x1] =	stream.indirect.gather [hbm4b:s2+s14], $0x80, s18, s14, $0xb8;
	[tilespmem:$0x1D000] =	vst v63  }
0x1d: {  	_ =	swait.ge [sflag:s16], $0x4000  }
0x1e: {  	[sflag:s16] =	ssyncset.done $0x0  }
0x1f: {  	s31 =	simm.s32 $0x2800;
	[sflag:s16] =	ssyncadd.s32 $0xFFFFC000  }
0x20: {  	[spmem:s3] =	stream.indirect.scatter.add.f32 [tilespmem:s15], [sflag:$0x2], $0x80, s31, s14, $0xb8;
	[tilespmem:$0x1D000] =	vst v63  }
0x21: {  	_ =	swait.ge [sflag:s12], $0x4000  }
0x22: {  	s19 =	simm.s32 $0x400;
	s18 =	simm.s32 $0x200;
	[sflag:s12] =	ssyncset.done $0x0  }
.LBB2_2:
0x23: {  	s20 =	sshra.s32 s18, $0x2  }
0x24: {  	[sflag:s12] =	ssyncadd.s32 $0xFFFFC000;
	s18 =	smov.u32 s19;
	s21 =	sadd.s32 $0x200, s19  }
0x25: {  	[tilespmem:s15], [sflag:$0x1] =	stream.indirect.gather [hbm4b:s2+s14], $0x80, s20, s14, $0xb8;
	[tilespmem:$0x1D000] =	vst v63  }
0x26: {  	p0 =	sne.s32 s19, $0x9C00;
	_ =	swait.ge [sflag:s16], $0x4000  }
.Ltmp0:
0x27: {  	[sflag:s16] =	ssyncset.done $0x0;
	(pc) =	sbr.rel @p0 .LBB2_2-.Ltmp0, $4  }
0x28: {  	s19 =	sadd.s32 $0x2800, s20;
	[sflag:s16] =	ssyncadd.s32 $0xFFFFC000  }
0x29: {  	[spmem:s3] =	stream.indirect.scatter.add.f32 [tilespmem:s15], [sflag:$0x2], $0x80, s19, s14, $0xb8;
	[tilespmem:$0x1D000] =	vst v63  }
0x2a: {  	_ =	swait.ge [sflag:s12], $0x4000  }
0x2b: {  	s19 =	smov.u32 s21;
	[sflag:s12] =	ssyncset.done $0x0  }
0x2c: {  	s18 =	sshra.s32 s18, $0x2;
	[sflag:s12] =	ssyncadd.s32 $0xFFFFC000  }
0x2d: {  	[tilespmem:s15], [sflag:$0x1] =	stream.indirect.gather [hbm4b:s2+s14], $0x80, s18, s14, $0xb8;
	[tilespmem:$0x1D000] =	vst v63  }
0x2e: {  	_ =	swait.ge [sflag:s16], $0x4000  }
0x2f: {  	[sflag:s16] =	ssyncset.done $0x0  }
0x30: {  	s18 =	sadd.s32 $0x2800, s18;
	[sflag:s16] =	ssyncadd.s32 $0xFFFFC000  }
0x31: {  	[spmem:s3] =	stream.indirect.scatter.add.f32 [tilespmem:s15], [sflag:$0x2], $0x80, s18, s14, $0xb8;
	[tilespmem:$0x1D000] =	vst v63  }
0x32: {  	_ =	swait.ge [sflag:s12], $0x4000  }
0x33: {  	s17 =	sadd.s32 $0x1, s17;
	[sflag:s12] =	ssyncset.done $0x0  }
0x34: {  	p0 =	sne.s32 s17, s10;
	[sflag:s12] =	ssyncadd.s32 $0xFFFFC000  }
.Ltmp1:
0x35: {  	[bflag:$0x0] =	sbarrier.arrive $0xFFFF;
	(pc) =	sbr.rel @p0 .LBB2_1-.Ltmp1, $4  }
0x36: {  	[hbm:s9], [sflag:s6] =	dma.local [spmem:s11], $0x2800  }
0x37: {  	_ =	swait.ge [sflag:s12], $0x2800  }
0x38: {  	[sflag:s12] =	ssyncset.done $0x0  }
0x39: {  	[sflag:s12] =	ssyncadd.s32 $0xFFFFD800  }
0x3a: {  	_ =	sfence.sel $0x180000  }
0x3b: {  	[bflag:$0x0] =	sbarrier.arrive $0xFFFF  }
0x3c: {  	p0 =	sne.s32 s0, $0x0;
	_ =	strace $0x9000004D  }
0x3d: {  	s0 =	sadd.s32 @!p0 $0x100000, s1;
	[bflag:$0x2] =	sbarrier.arrive $0xFFFF  }
0x3e: {  	[sflag:s0] =	ssyncadd.tile.s32 @!p0 $0x1;
	_ =	shalt  }
.Lfunc_end2:
_tile_overlayer_lowered:
.L_overlay_start_2:
0x3f: {  	(tag) =	ssettag $0x2  }
0x40: {  	s0 =	rddreg [dreg:$0x0];
	s2 =	stileid.u32  }
0x41: {  	s1 =	rddreg [dreg:$0x1];
	p0 =	sne.s32 s2, $0x0  }
0x42: {  	s3 =	rddreg [dreg:$0x2];
	[bflag:$0x3] =	sbarrier.arrive $0xFFFF;
	s2 =	simm.s32 @!p0 $0x1C02  }
0x43: {  	[timem:s3], [sflag:s2] =	dma.local @!p0 [hbm:s0], s1  }
0x44: {  	s0 =	simm.s32 @!p0 $0x2  }
0x45: {  	_ =	swait.ge @!p0 [sflag:s0], s1  }
0x46: {  	s1 =	ssub.s32 @!p0 $0x0, s1;
	[sflag:s0] =	ssyncset.done @!p0 $0x0  }
0x47: {  	[sflag:s0] =	ssyncadd.s32 @!p0 s1  }
0x48: {  	[bflag:$0x3] =	sbarrier.arrive $0xFFFF  }
0x49: {  	_ =	shalt  }

// kernel: kernel.8.cloned.1.call-start
scs
__scs_entry_jumppad:
0x0: {  	(pc) =	sbr.rel $0x88, $3  }
0x1: {  	(tag) =	ssettag $0x0;
	lr =	simm.s32 $0x1  }
0x2: {  	[smem:$0x3F97] =	sst lr;
	_ =	strace $0xD0000000  }
0x3: {  	_ = 	snop  }
0x4: {  	_ = 	snop  }
0x5: {  	_ = 	snop  }
0x6: {  	_ = 	snop  }
0x7: {  	_ = 	snop  }
__scs_overlays_trampoline_lowered:
0x8: {  	[smem:$0x3FA6] =	sst s0  }
0x9: {  	[smem:$0x3FA7] =	sst s1  }
0xa: {  	[smem:$0x3FA8] =	sst s2  }
0xb: {  	[smem:$0x3FA9] =	sst s3  }
0xc: {  	[smem:$0x3FAA] =	sst s4  }
0xd: {  	[smem:$0x3FAB] =	sst s5  }
0xe: {  	[smem:$0x3FAC] =	sst s6  }
0xf: {  	[smem:$0x3FAD] =	sst s7  }
0x10: {  	[smem:$0x3FAE] =	sst s8  }
0x11: {  	[smem:$0x3FAF] =	sst s9;
	s0 =	simm.s32 @!p0 $0x0  }
0x12: {  	s1 =	sld [smem:$0x3F95];
	s0 =	simm.s32 @p0 $0x1  }
0x13: {  	[smem:$0x3FB0] =	sst s0;
	s0 =	simm.s32 @!p1 $0x0  }
0x14: {  	s2 =	sld [smem:$0x3F94];
	s0 =	simm.s32 @p1 $0x1  }
0x15: {  	[smem:$0x3FB1] =	sst s0;
	s0 =	simm.s32 @!p2 $0x0  }
0x16: {  	s3 =	sld [smem:$0x3FDB];
	s0 =	simm.s32 @p2 $0x1  }
0x17: {  	s4 =	simm.s32 $0x1BF5;
	[smem:$0x3FB3] =	sst s0  }
0x18: {  	s0 =	sld [smem:$0x3F96];
	_ =	swait.ge [sflag:s4], $0x0  }
0x19: {  	s7 =	sld [smem:$0x3F97]  }
0x1a: {  	s8 =	sadd.s32 $0xFFFFE003, lr  }
0x1b: {  	s9 =	sadd.s32 $0xFFFFFEF7, lr;
	s5 =	simm.s32 $0xFFFFFFFF;
	p2 =	slt.u32 s8, $0xFFFFF086  }
0x1c: {  	p1 =	slt.u32 s9, $0xF7A;
	s5 =	simm.s32 @!p2 $0x0  }
0x1d: {  	s5 =	simm.s32 @p1 $0x1;
	p0 =	seq.s32 s7, s2  }
0x1e: {  	s7 =	smul.u32 @!p0 $0xF7A, s2;
	p2 =	seq.s32 @!p0 s5, $0x0  }
0x1f: {  	s9 =	smul.u32 $0xF7A, s1;
	s8 =	simm.s32 @!p0 $0x1BF5;
	p2 =	por !p2, p0  }
0x20: {  	[sflag:s8] =	ssyncset.s32 @!p0 $0xFFFFF086;
	s6 =	sadd.s32 @!p0 s3, s7;
	s7 =	simm.s32 @!p0 $0x108  }
0x21: {  	s3 =	sadd.s32 s3, s9;
	s6 =	sadd.s32 @!p0 $0x88, s6;
	s7 =	simm.s32 @p2 $0x1082  }
0x22: {  	[simem:s7], [sflag:s8] =	dma.local @!p0 [hbm:s6], $0xF7A  }
0x23: {  	s9 =	sor.u32 $0xD0000000, s2;
	s6 =	simm.s32 $0x108;
	_ =	swait.ge @!p0 [sflag:s8], $0x0  }
0x24: {  	s3 =	sadd.s32 $0x88, s3;
	s6 =	simm.s32 @!p1 $0x1082;
	[sflag:s4] =	ssyncset.s32 $0xFFFFF086  }
0x25: {  	[simem:s6], [sflag:s4] =	dma.local [hbm:s3], $0xF7A  }
0x26: {  	[smem:$0x3F97] =	sst s1;
	(tag) =	ssettag s2;
	_ =	strace s9  }
0x27: {  	s1 =	sld [smem:$0x3FA7]  }
0x28: {  	s2 =	sld [smem:$0x3FA8]  }
0x29: {  	s4 =	sld [smem:$0x3FAA]  }
0x2a: {  	p0 =	seq.s32 s5, $0x0;
	s5 =	sld [smem:$0x3FAB]  }
0x2b: {  	s6 =	sld [smem:$0x3FAC]  }
0x2c: {  	s7 =	sld [smem:$0x3FAD]  }
0x2d: {  	s3 =	simm.s32 $0x108;
	s8 =	sld [smem:$0x3FAE]  }
0x2e: {  	s3 =	simm.s32 @!p0 $0x1082;
	s9 =	sld [smem:$0x3FAF]  }
0x2f: {  	lr =	sadd.s32 s0, s3;
	s0 =	sld [smem:$0x3FA6]  }
0x30: {  	s3 =	sld [smem:$0x3FA9]  }
0x31: {  	[smem:$0x3FB2] =	sst s10  }
0x32: {  	s10 =	sld [smem:$0x3FB0];
	_ =	sdelay $0x3  }
0x33: {  	p0 =	seq.s32 s10, $0x1;
	s10 =	sld [smem:$0x3FB2];
	_ =	sdelay $0x3  }
0x34: {  	[smem:$0x3FB2] =	sst s10  }
0x35: {  	s10 =	sld [smem:$0x3FB1];
	_ =	sdelay $0x3  }
0x36: {  	p1 =	seq.s32 s10, $0x1;
	s10 =	sld [smem:$0x3FB2];
	_ =	sdelay $0x3  }
0x37: {  	[smem:$0x3FB2] =	sst s10  }
0x38: {  	s10 =	sld [smem:$0x3FB3]  }
0x39: {  	_ = 	snop;
	(pc) =	sbr.ind lr, $3  }
0x3a: {  	_ = 	snop  }
0x3b: {  	_ = 	snop  }
0x3c: {  	p2 =	seq.s32 s10, $0x1;
	s10 =	sld [smem:$0x3FB2]  }
0x3d: {  	_ =	shalt  }
0x3e: {  	_ =	shalt  }
0x3f: {  	_ =	shalt  }
0x40: {  	_ =	shalt  }
0x41: {  	_ =	shalt  }
0x42: {  	_ =	shalt  }
0x43: {  	_ =	shalt  }
0x44: {  	_ =	shalt  }
0x45: {  	_ =	shalt  }
0x46: {  	_ =	shalt  }
0x47: {  	_ =	shalt  }
0x48: {  	_ =	shalt  }
0x49: {  	_ =	shalt  }
0x4a: {  	_ =	shalt  }
0x4b: {  	_ =	shalt  }
0x4c: {  	_ =	shalt  }
0x4d: {  	_ =	shalt  }
0x4e: {  	_ =	shalt  }
0x4f: {  	_ =	shalt  }
0x50: {  	_ =	shalt  }
0x51: {  	_ =	shalt  }
0x52: {  	_ =	shalt  }
0x53: {  	_ =	shalt  }
0x54: {  	_ =	shalt  }
0x55: {  	_ =	shalt  }
0x56: {  	_ =	shalt  }
0x57: {  	_ =	shalt  }
0x58: {  	_ =	shalt  }
0x59: {  	_ =	shalt  }
0x5a: {  	_ =	shalt  }
0x5b: {  	_ =	shalt  }
0x5c: {  	_ =	shalt  }
0x5d: {  	_ =	shalt  }
0x5e: {  	_ =	shalt  }
0x5f: {  	_ =	shalt  }
0x60: {  	_ =	shalt  }
0x61: {  	_ =	shalt  }
0x62: {  	_ =	shalt  }
0x63: {  	_ =	shalt  }
0x64: {  	_ =	shalt  }
0x65: {  	_ =	shalt  }
0x66: {  	_ =	shalt  }
0x67: {  	_ =	shalt  }
0x68: {  	_ =	shalt  }
0x69: {  	_ =	shalt  }
0x6a: {  	_ =	shalt  }
0x6b: {  	_ =	shalt  }
0x6c: {  	_ =	shalt  }
0x6d: {  	_ =	shalt  }
0x6e: {  	_ =	shalt  }
0x6f: {  	_ =	shalt  }
0x70: {  	_ =	shalt  }
0x71: {  	_ =	shalt  }
0x72: {  	_ =	shalt  }
0x73: {  	_ =	shalt  }
0x74: {  	_ =	shalt  }
0x75: {  	_ =	shalt  }
0x76: {  	_ =	shalt  }
0x77: {  	_ =	shalt  }
0x78: {  	_ =	shalt  }
0x79: {  	_ =	shalt  }
0x7a: {  	_ =	shalt  }
0x7b: {  	_ =	shalt  }
0x7c: {  	_ =	shalt  }
0x7d: {  	_ =	shalt  }
0x7e: {  	_ =	shalt  }
0x7f: {  	_ =	shalt  }
0x80: {  	_ =	shalt  }
0x81: {  	_ =	shalt  }
0x82: {  	_ =	shalt  }
0x83: {  	_ =	shalt  }
0x84: {  	_ =	shalt  }
0x85: {  	_ =	shalt  }
0x86: {  	_ =	shalt  }
0x87: {  	_ =	shalt  }
.Lfunc_end0:
.L_simem_size_0:
called_computation_lowered:
.L_overlay_start_0:
0x88: {  	s2 =	sld [smem:$0x3FD9]  }
0x89: {  	s3 =	sld [smem:$0x3FFE];
	_ =	sdelay $0x1  }
0x8a: {  	s1 =	srdreg.scid  }
0x8b: {  	s0 =	sand.u32 $0x1, s1  }
0x8c: {  	s17 =	sshll.u32 s0, $0xA;
	s2 =	sadd.s32 s3, s2  }
0x8d: {  	s2 =	sadd.s32 s2, s17  }
0x8e: {  	[smem:$0x3FBE] =	sst s2  }
0x8f: {  	_ = 	snop  }
0x90: {  	s2 =	sld [smem:$0x3FD0];
	(tm) =	ssettm $0x1  }
0x91: {  	s18 =	sld [smem:$0x3FFB];
	_ =	sdelay $0x3  }
0x92: {  	_ =	strace s18  }
0x93: {  	s3 =	sld [smem:$0x3FFC];
	_ =	sdelay $0x3  }
0x94: {  	_ =	strace s3  }
0x95: {  	s3 =	sld [smem:$0x3FFD];
	_ =	sdelay $0x3  }
0x96: {  	_ =	strace s3  }
0x97: {  	_ =	strace $0x8FFFFFFF  }
0x98: {  	s19 =	sld [smem:$0x3FDB];
	_ =	sdelay $0x1  }
0x99: {  	s4 =	simm.s32 $_scs_section_size  }
0x9a: {  	s5 =	simm.s32 $_size__tile_overlayer_lowered;
	s6 =	simm.s32 $_tile_overlayer_lowered  }
0x9b: {  	s22 =	simm.s32 $0x1BFF;
	s21 =	sshll.u32 s6, $0x1;
	s3 =	sadd.s32 s4, s19  }
0x9c: {  	s7 =	simm.s32 $0x0;
	s20 =	sshll.u32 s5, $0x1;
	s5 =	sadd.s32 s21, s3  }
0x9d: {  	[timem:s7], [sflag:s22] =	dma.local [hbm:s5], s20  }
0x9e: {  	_ =	swait.ge [sflag:s22], s20  }
0x9f: {  	s4 =	ssub.s32 $0x0, s20;
	[sflag:s22] =	ssyncset.done $0x0  }
0xa0: {  	[sflag:s22] =	ssyncadd.s32 s4;
	_ =	sdelay $0x1  }
0xa1: {  	s23 =	simm.s32 $0x1B8B  }
0xa2: {  	_ =	swait.ge [sflag:s23], $0x1  }
0xa3: {  	[sflag:s23] =	ssyncset.done $0x0  }
0xa4: {  	s25 =	simm.s32 $0x1B8E;
	s24 =	sld [smem:$0x3FFE];
	[sflag:s23] =	ssyncadd.s32 $0xFFFFFFFF  }
0xa5: {  	s26 =	simm.s32 $execute0_lowered;
	[smem:$0x3FD2] =	sst s25  }
0xa6: {  	s5 =	sshll.u32 s26, $0x1;
	_ =	strace $0x80000046;
	[dreg:$0x1] =	wrdreg $0xFFFFFFFF  }
0xa7: {  	s28 =	simm.s32 $_size_execute0_lowered;
	s3 =	sadd.s32 s3, s5;
	[dreg:$0x0] =	wrdreg $0x0  }
0xa8: {  	s5 =	sshll.u32 s28, $0x1;
	[dreg:$0x2] =	wrdreg s3  }
0xa9: {  	[dreg:$0x3] =	wrdreg s5  }
0xaa: {  	[dreg:$0x4] =	wrdreg $0xC0  }
0xab: {  	_ =	task [dreg:s7], $0x5FFFF  }
0xac: {  	[dreg:$0x1] =	wrdreg $0xFFFFFFFF  }
0xad: {  	[dreg:$0x0] =	wrdreg $0x60  }
0xae: {  	[dreg:$0x2] =	wrdreg s24  }
0xaf: {  	[dreg:$0x3] =	wrdreg s2  }
0xb0: {  	[dreg:$0x4] =	wrdreg $0x28800  }
0xb1: {  	[dreg:$0x5] =	wrdreg $0x9  }
0xb2: {  	_ =	task.clear_ibuf [dreg:s7], $0x6FFFF;
	_ =	strace $0x90000046  }
0xb3: {  	s29 =	simm.s32 $0x9;
	_ =	strace $0x80000048  }
0xb4: {  	_ =	swait.ge [sflag:s29], $0x1  }
0xb5: {  	[sflag:s29] =	ssyncadd.s32 $0xFFFFFFFF  }
0xb6: {  	_ =	strace $0x90000048  }
0xb7: {  	_ =	sfence  }
0xb8: {  	s30 =	sld [smem:$0x0];
	_ =	sdelay $0x2  }
0xb9: {  	s31 =	sshll.u32 s1, $0xD;
	s1 =	sshrl.u32 s1, $0x2  }
0xba: {  	s3 =	sand.u32 $0x4000, s31;
	s1 =	sadd.s32 s1, s30  }
0xbb: {  	s0 =	sor.u32 s3, s0;
	s1 =	sshll.u32 s1, $0x11  }
0xbc: {  	s0 =	sor.u32 s1, s0  }
0xbd: {  	s0 =	sadd.s32 $0x8F2B, s0  }
0xbe: {  	[sflag:s0] =	ssyncadd.remote.s32 $0x1  }
0xbf: {  	_ =	sfence.sel $0xFFFF  }
0xc0: {  	[dreg:$0x0] =	wrdreg $0xFFFFFFFF;
	(pc) =	sbr.abs _section_cstart, $3  }
0xc1: {  	[dreg:$0x1] =	wrdreg $0xFFFFFFFF  }
0xc2: {  	_ =	task.clear_ibuf [dreg:s7], $0x2FFFF;
	_ =	strace $0x9FFFFFFF  }
0xc3: {  	(tm) =	ssettm $0x7FFFFFFF  }
tec
execute0_lowered:
.L_overlay_start_1:
0x0: {  	(tag) =	ssettag $0x1  }
0x1: {  	s5 =	rddreg [dreg:$0x0]  }
0x2: {  	s0 =	srdreg.scid;
	s7 =	rddreg [dreg:$0x1]  }
0x3: {  	s2 =	rddreg [dreg:$0x2];
	s3 =	simm.s32 $0x0;
	s12 =	simm.s32 $0x2800  }
0x4: {  	s13 =	simm.s32 $0x0;
	s4 =	sand.u32 $0x1, s0;
	s0 =	stileid.u32  }
0x5: {  	[smem:$0x7FF] =	sst s3;
	s1 =	sshll.u32 s4, $0x4;
	s8 =	smul.u32 $0x280, s0  }
0x6: {  	s9 =	ssub.s32 $0x2, s4;
	s10 =	smul.u32 $0x2800, s4;
	s4 =	sadd.s32 $0xCE00, s5  }
0x7: {  	s30 =	sshll.u32 s0, $0x6;
	s1 =	sor.u32 s0, s1;
	s11 =	sshrl.u32 s9, $0x1  }
0x8: {  	s6 =	smul.u32 $0x500, s1;
	s1 =	rddreg [dreg:$0x3];
	_ =	strace $0x80000047  }
0x9: {  	s9 =	ssub.s32 s9, s11;
	s28 =	sadd.s32 s8, s10;
	s29 =	sadd.s32 s8, s2  }
0xa: {  	s10 =	simm.s32 $0x1;
	s11 =	simm.s32 $0x80;
	s31 =	sshrl.u32 s28, $0x3  }
0xb: {  	s8 =	smax.u32 s9, $0x1;
	s9 =	sshrl.u32 s29, $0x3;
	s6 =	sadd.s32 s6, s5  }
0xc: {  	v0 =	vimm.f32 $1.000000000e+00;
	s5 =	sor.u32 $0x1C01, s30;
	s7 =	sadd.s32 s7, s31;
	s6 =	sadd.s32 $0x2E00, s6  }
.LBB2_1:
0xd: {  	[spmem:s9], [sflag:s5] =	dma.local [hbm:s4], $0x50  }
0xe: {  	_ =	swait.ge [sflag:s10], $0x50  }
0xf: {  	[sflag:s10] =	ssyncset.done $0x0  }
0x10: {  	[sflag:s10] =	ssyncadd.s32 $0xFFFFFFB0  }
0x11: {  	[tilespmem:s3], [sflag:$0x1] =	stream.linear.gather [hbm4b:s6+s3], $0x2780, $0x38;
	[tilespmem:$0x2B00] =	vst v63  }
0x12: {  	_ =	swait.ge [sflag:s10], $0x2780  }
0x13: {  	[sflag:s10] =	ssyncset.done $0x0  }
0x14: {  	[sflag:s10] =	ssyncadd.s32 $0xFFFFD880  }
0x15: {  	[tilespmem:$0x2800] =	vst v0  }
0x16: {  	[tilespmem:$0x2810] =	vst v0  }
0x17: {  	[tilespmem:$0x2820] =	vst v0  }
0x18: {  	[tilespmem:$0x2830] =	vst v0  }
0x19: {  	[tilespmem:$0x2840] =	vst v0  }
0x1a: {  	[tilespmem:$0x2850] =	vst v0  }
0x1b: {  	[tilespmem:$0x2860] =	vst v0  }
0x1c: {  	[tilespmem:$0x2870] =	vst v0  }
0x1d: {  	s14 =	simm.s32 $0x0;
	[bflag:$0x0] =	sbarrier.arrive $0xFFFF  }
0x1e: {  	[spmem:s2] =	stream.indirect.scatter.add.f32 [tilespmem:s12], [sflag:$0x1], $0x1, s14, s11, $0xb8;
	[tilespmem:$0x2B00] =	vst v63  }
0x1f: {  	_ =	swait.ge [sflag:s10], $0x80  }
0x20: {  	s14 =	simm.s32 $0x200;
	[sflag:s10] =	ssyncset.done $0x0  }
.LBB2_2:
0x21: {  	s15 =	sshra.s32 s14, $0x2;
	[sflag:s10] =	ssyncadd.s32 $0xFFFFFF80;
	p0 =	sne.s32 s14, $0x9C00  }
0x22: {  	[spmem:s2] =	stream.indirect.scatter.add.f32 [tilespmem:s12], [sflag:$0x1], $0x1, s15, s11, $0xb8;
	[tilespmem:$0x2B00] =	vst v63  }
.Ltmp0:
0x23: {  	_ = 	snop;
	(pc) =	sbr.rel @p0 .LBB2_2-.Ltmp0, $4  }
0x24: {  	_ = 	snop  }
0x25: {  	s14 =	sadd.s32 $0x200, s14  }
0x26: {  	_ =	swait.ge [sflag:s10], $0x80  }
0x27: {  	[sflag:s10] =	ssyncset.done $0x0  }
0x28: {  	s13 =	sadd.s32 $0x1, s13  }
0x29: {  	[sflag:s10] =	ssyncadd.s32 $0xFFFFFF80;
	p0 =	sne.s32 s13, s8  }
.Ltmp1:
0x2a: {  	[bflag:$0x0] =	sbarrier.arrive $0xFFFF;
	(pc) =	sbr.rel @p0 .LBB2_1-.Ltmp1, $4  }
0x2b: {  	[hbm:s7], [sflag:s5] =	dma.local [spmem:s9], $0x50  }
0x2c: {  	_ =	swait.ge [sflag:s10], $0x50  }
0x2d: {  	[sflag:s10] =	ssyncset.done $0x0  }
0x2e: {  	[sflag:s10] =	ssyncadd.s32 $0xFFFFFFB0  }
0x2f: {  	_ =	sfence.sel $0x180000  }
0x30: {  	[bflag:$0x0] =	sbarrier.arrive $0xFFFF  }
0x31: {  	p0 =	sne.s32 s0, $0x0;
	_ =	strace $0x90000047  }
0x32: {  	s0 =	sadd.s32 @!p0 $0x100000, s1;
	[bflag:$0x2] =	sbarrier.arrive $0xFFFF  }
0x33: {  	[sflag:s0] =	ssyncadd.tile.s32 @!p0 $0x1;
	_ =	shalt  }
.Lfunc_end2:
_tile_overlayer_lowered:
.L_overlay_start_2:
0x34: {  	(tag) =	ssettag $0x2  }
0x35: {  	s0 =	rddreg [dreg:$0x0];
	s2 =	stileid.u32  }
0x36: {  	s1 =	rddreg [dreg:$0x1];
	p0 =	sne.s32 s2, $0x0  }
0x37: {  	s3 =	rddreg [dreg:$0x2];
	[bflag:$0x3] =	sbarrier.arrive $0xFFFF;
	s2 =	simm.s32 @!p0 $0x1C01  }
0x38: {  	[timem:s3], [sflag:s2] =	dma.local @!p0 [hbm:s0], s1  }
0x39: {  	s0 =	simm.s32 @!p0 $0x1  }
0x3a: {  	_ =	swait.ge @!p0 [sflag:s0], s1  }
0x3b: {  	s1 =	ssub.s32 @!p0 $0x0, s1;
	[sflag:s0] =	ssyncset.done @!p0 $0x0  }
0x3c: {  	[sflag:s0] =	ssyncadd.s32 @!p0 s1  }
0x3d: {  	[bflag:$0x3] =	sbarrier.arrive $0xFFFF  }
0x3e: {  	_ =	shalt  }

</sc_bundles>
